<compile_context>
chip_gen: v7x
topology: tpu7x:2x2x1
jax: 0.10.2.dev20260603
libtpu: 0.0.44.dev20260713+nightly
codegen_flags: <defaults>
</compile_context>

<pallas_src>
import functools

import jax
import jax.numpy as jnp
from jax import lax
from jax.experimental import pallas as pl
from jax.experimental.pallas import tpu as pltpu
from jax.experimental.pallas import tpu_sc as plsc

B = 128
S = 196
EMBED = 768
POOL = 512
TOP_K = 8
LENGTH = 8
ROWS = B * TOP_K

S_BLK = 28
N_STEPS = S // S_BLK


def _row_norm_rsqrt(x):
    xx = x * x
    v = jnp.sum(xx[:, 0:128], axis=-1, keepdims=True)
    for c in range(1, EMBED // 128):
        v = v + jnp.sum(xx[:, 128 * c:128 * (c + 1)], axis=-1, keepdims=True)
    return lax.rsqrt(jnp.maximum(v, 1e-12))


def _tc_body(x_ref, key_ref, sim_ref, idx_ref, rsum_ref, idxf_ref, acc_ref):
    i = pl.program_id(0)
    part = jnp.sum(x_ref[...], axis=0)

    @pl.when(i == 0)
    def _():
        acc_ref[...] = part

    @pl.when(i > 0)
    def _():
        acc_ref[...] = acc_ref[...] + part

    @pl.when(i == N_STEPS - 1)
    def _finish():
        xm = acc_ref[...] * (1.0 / S)
        xn = xm * _row_norm_rsqrt(xm)
        k = key_ref[...]
        kn = k * _row_norm_rsqrt(k)
        sim_t = lax.dot_general(
            kn, xn, (((1,), (1,)), ((), ())),
            preferred_element_type=jnp.float32)
        sim = jnp.transpose(sim_t)
        sim_ref[...] = sim

        iota = lax.broadcasted_iota(jnp.int32, (B, POOL), 1)
        s = sim
        total = jnp.zeros((1, 1), jnp.float32)
        cols = []
        for _ in range(TOP_K):
            m = jnp.max(s, axis=1, keepdims=True)
            am = jnp.min(jnp.where(s == m, iota, POOL),
                         axis=1, keepdims=True)
            cols.append(am)
            total = total + jnp.sum(m, axis=(0, 1), keepdims=True)
            s = jnp.where(iota == am, -jnp.inf, s)
        idx = jnp.concatenate(cols, axis=1)
        idx_ref[...] = idx
        idxf_ref[...] = jnp.concatenate([idx] * (128 // TOP_K), axis=1)
        rsum_ref[...] = total * (1.0 / B)


def _tc_call(x_embed, prompt_key):
    xt = jnp.transpose(x_embed, (1, 0, 2))
    return pl.pallas_call(
        _tc_body,
        grid=(N_STEPS,),
        in_specs=[
            pl.BlockSpec((S_BLK, B, EMBED), lambda i: (i, 0, 0)),
            pl.BlockSpec((POOL, EMBED), lambda i: (0, 0)),
        ],
        out_specs=[
            pl.BlockSpec((B, POOL), lambda i: (0, 0)),
            pl.BlockSpec((B, TOP_K), lambda i: (0, 0)),
            pl.BlockSpec((1, 1), lambda i: (0, 0)),
            pl.BlockSpec((B, 128), lambda i: (0, 0)),
        ],
        out_shape=[
            jax.ShapeDtypeStruct((B, POOL), jnp.float32),
            jax.ShapeDtypeStruct((B, TOP_K), jnp.int32),
            jax.ShapeDtypeStruct((1, 1), jnp.float32),
            jax.ShapeDtypeStruct((B, 128), jnp.int32),
        ],
        scratch_shapes=[pltpu.VMEM((B, EMBED), jnp.float32)],
    )(xt, prompt_key)


_NC, _NS = 2, 16
_NW = _NC * _NS
_B_PER_W = ROWS // _NW
_CHUNK = 8
_NCHUNK = _B_PER_W // _CHUNK
_B_OF_W = B // _NW


@functools.cache
def _sc_gather_fn():
    @functools.partial(
        pl.kernel,
        mesh=plsc.VectorSubcoreMesh(
            core_axis_name="c", subcore_axis_name="s"),
        out_type=jax.ShapeDtypeStruct((ROWS, LENGTH, EMBED), jnp.float32),
        scratch_types=[
            pltpu.VMEM((_B_OF_W, 128), jnp.int32),
            pltpu.VMEM((_B_PER_W,), jnp.int32),
            pltpu.VMEM((_CHUNK, LENGTH, EMBED), jnp.float32),
            pltpu.VMEM((_CHUNK, LENGTH, EMBED), jnp.float32),
            pltpu.SemaphoreType.DMA,
            pltpu.SemaphoreType.DMA,
            pltpu.SemaphoreType.DMA,
            pltpu.SemaphoreType.DMA,
        ],
        compiler_params=pltpu.CompilerParams(
            use_tc_tiling_on_sc=True, needs_layout_passes=False),
    )
    def _sc_gather(table_hbm, idx_hbm, out_hbm, idx2d_v, idx_v,
                   rows_v0, rows_v1, sg0, sg1, sw0, sw1):
        wid = lax.axis_index("s") * _NC + lax.axis_index("c")
        base = wid * _B_PER_W
        bufs = (rows_v0, rows_v1)
        sgs = (sg0, sg1)
        sws = (sw0, sw1)

        def _gather(c):
            return pltpu.make_async_copy(
                table_hbm.at[idx_v.at[pl.ds(c * _CHUNK, _CHUNK)]],
                bufs[c % 2], sgs[c % 2])

        def _write(c):
            return pltpu.make_async_copy(
                bufs[c % 2], out_hbm.at[pl.ds(base + c * _CHUNK, _CHUNK)],
                sws[c % 2])

        pltpu.sync_copy(idx_hbm.at[pl.ds(wid * _B_OF_W, _B_OF_W)], idx2d_v)
        for h in range(_B_PER_W // 16):
            gi = lax.iota(jnp.int32, 16) + 16 * h
            g = plsc.load_gather(idx2d_v, [gi >> 3, gi & 7])
            idx_v[pl.ds(16 * h, 16)] = g
        _gather(0).start()
        for c in range(_NCHUNK):
            _gather(c).wait()
            _write(c).start()
            if c + 1 < _NCHUNK:
                if c >= 1:
                    _write(c - 1).wait()
                _gather(c + 1).start()
        _write(_NCHUNK - 2).wait()
        _write(_NCHUNK - 1).wait()

    return _sc_gather


def kernel(x_embed, prompt, prompt_key):
    sim, idx, rsum, idx_pad = _tc_call(x_embed, prompt_key)
    table = jnp.reshape(prompt, (POOL, LENGTH, EMBED))
    rows = _sc_gather_fn()(table, idx_pad)
    batched_prompt = jnp.reshape(rows, (1, B, TOP_K * LENGTH, EMBED))
    return batched_prompt, rsum[0, 0], sim, idx

# --- scband reference (transcript-rebuilt; emitter-appended) ---
"""Pipeline reference for scband-prompt-70068096467863 (READ-ONLY COPY).

The authoritative reference and input builder live on the scoring server;
editing this copy changes nothing except your own understanding.
"""

import jax, jax.numpy as jnp
import numpy as np

NUM_LAYERS = 1
POOL_SIZE = 512
LENGTH = 8
TOP_K = 8
EMBED = 768
B = 128
S = 196


def l2_normalize(x, axis=None, epsilon=1e-12):
    square_sum = jnp.sum(jnp.square(x), axis=axis, keepdims=True)
    x_inv_norm = jax.lax.rsqrt(jnp.maximum(square_sum, epsilon))
    return x * x_inv_norm


def setup_inputs(seed: int = 0) -> dict:
    key = jax.random.key(seed)
    k1, k2, k3 = jax.random.split(key, 3)
    x_embed = jax.random.normal(k1, (B, S, EMBED), dtype=jnp.float32)
    # flax nn.initializers.uniform() draws from U[0, 0.01)
    prompt = jax.random.uniform(k2, (NUM_LAYERS, POOL_SIZE, LENGTH, EMBED), dtype=jnp.float32, minval=0.0, maxval=0.01)
    prompt_key = jax.random.uniform(k3, (POOL_SIZE, EMBED), dtype=jnp.float32, minval=0.0, maxval=0.01)
    return {"x_embed": x_embed, "prompt": prompt, "prompt_key": prompt_key}


def reference(x_embed, prompt, prompt_key):
    # embedding_key == 'mean'
    x_embed_mean = jnp.mean(x_embed, axis=1)
    prompt_key_norm = l2_normalize(prompt_key, axis=-1)
    x_embed_norm = l2_normalize(x_embed_mean, axis=-1)
    sim = jnp.matmul(prompt_key_norm, jnp.transpose(x_embed_norm))  # [pool, B]
    sim = jnp.transpose(sim)  # [B, pool]
    sim_top_k, idx = jax.lax.top_k(sim, TOP_K)  # idx: [B, top_k]
    batched_key_norm = jnp.take(prompt_key_norm, idx, axis=0)  # [B, top_k, D]
    batched_prompt_raw = jnp.take(prompt, idx, axis=1)  # [L, B, top_k, length, D]
    num_layers, bs, allowed_size, prompt_len, embed_dim = batched_prompt_raw.shape
    batched_prompt = jnp.reshape(batched_prompt_raw, (num_layers, bs, allowed_size * prompt_len, embed_dim))
    x_embed_norm_e = x_embed_norm[:, jnp.newaxis, :]
    sim_pull = batched_key_norm * x_embed_norm_e
    reduce_sim = jnp.sum(sim_pull) / x_embed.shape[0]
    return batched_prompt, reduce_sim, sim, idx

if __name__ == "__main__":
    import jax
    _d = setup_inputs()
    print(jax.jit(kernel)(*tuple(_d.values())))

</pallas_src>

<mosaic_0001>
#map = affine_map<(d0, d1) -> (0, 0, 0)>
#map1 = affine_map<(d0, d1) -> (0, 0)>
module attributes {stable_mosaic.version = 14 : i64} {
  func.func @_sc_gather(%arg0: i32, %arg1: i32, %arg2: memref<512x8x768xf32, #tpu.memory_space<hbm>>, %arg3: memref<128x128xi32, #tpu.memory_space<hbm>>, %arg4: memref<1024x8x768xf32, #tpu.memory_space<hbm>>, %arg5: memref<4x128xi32, #tpu.memory_space<vmem>>, %arg6: memref<32xi32, #tpu.memory_space<vmem>>, %arg7: memref<8x8x768xf32, #tpu.memory_space<vmem>>, %arg8: memref<8x8x768xf32, #tpu.memory_space<vmem>>, %arg9: memref<!tpu.dma_semaphore, #tpu.memory_space<semaphore_mem>>, %arg10: memref<!tpu.dma_semaphore, #tpu.memory_space<semaphore_mem>>, %arg11: memref<!tpu.dma_semaphore, #tpu.memory_space<semaphore_mem>>, %arg12: memref<!tpu.dma_semaphore, #tpu.memory_space<semaphore_mem>>) attributes {dimension_semantics = [#tpu.dimension_semantics<core_parallel>, #tpu.dimension_semantics<subcore_parallel>], iteration_bounds = array<i64: 2, 16>, scalar_prefetch = 0 : i64, scratch_operands = 8 : i64, tpu.core_type = #tpu.core_type<sc_vector_subcore>, window_params = [{transform_indices = #map}, {transform_indices = #map1}, {transform_indices = #map}]} {
    %mul3A = arith.constant 2 : i32
    %mul3A_0 = arith.muli %arg1, %mul3A : i32
    %add3A = arith.addi %mul3A_0, %arg0 : i32
    %mul3A_1 = arith.constant 32 : i32
    %mul3A_2 = arith.muli %add3A, %mul3A_1 : i32
    %mul3A_3 = arith.constant 4 : i32
    %mul3A_4 = arith.muli %add3A, %mul3A_3 : i32
    "tpu.region"() ({
      %run_scoped3A = tpu.sem_alloc : memref<!tpu.dma_semaphore, #tpu.memory_space<semaphore_mem>>
      %dma_start3A_136 = arith.constant 0 : i32
      %dma_start3A_137 = tpu.memref_slice %arg3[%mul3A_4, %dma_start3A_136] : memref<128x128xi32, #tpu.memory_space<hbm>> -> memref<4x128xi32, #tpu.memory_space<hbm>>
      %dma_start3A_138 = arith.constant 0 : i32
      %dma_start3A_139 = tpu.memref_slice %arg3[%mul3A_4, %dma_start3A_138] : memref<128x128xi32, #tpu.memory_space<hbm>> -> memref<4x128xi32, #tpu.memory_space<hbm>>
      tpu.enqueue_dma source(%dma_start3A_139 : memref<4x128xi32, #tpu.memory_space<hbm>>) target(%arg5 : memref<4x128xi32, #tpu.memory_space<vmem>>) target_semaphore(%run_scoped3A : memref<!tpu.dma_semaphore, #tpu.memory_space<semaphore_mem>>)
      %dma_wait3A_140 = arith.constant 0 : i32
      %dma_wait3A_141 = tpu.memref_slice %arg3[%mul3A_4, %dma_wait3A_140] : memref<128x128xi32, #tpu.memory_space<hbm>> -> memref<4x128xi32, #tpu.memory_space<hbm>>
      %dma_wait3A_142 = arith.constant 0 : i32
      %dma_wait3A_143 = tpu.memref_slice %arg3[%mul3A_4, %dma_wait3A_142] : memref<128x128xi32, #tpu.memory_space<hbm>> -> memref<4x128xi32, #tpu.memory_space<hbm>>
      tpu.wait_dma2 semaphore(%run_scoped3A : memref<!tpu.dma_semaphore, #tpu.memory_space<semaphore_mem>>) src(%dma_wait3A_143 : memref<4x128xi32, #tpu.memory_space<hbm>>) dst(%arg5 : memref<4x128xi32, #tpu.memory_space<vmem>>)
      tpu.yield
    }) : () -> ()
    %iota3A = tpu.iota {dimensions = array<i32: 0>} : vector<16xi32>
    %add3A_5 = arith.constant 0 : i32
    %add3A_6 = vector.broadcast %add3A_5 : i32 to vector<16xi32>
    %add3A_7 = arith.addi %iota3A, %add3A_6 : vector<16xi32>
    %shift_right_arithmetic3A = arith.constant 3 : i32
    %shift_right_arithmetic3A_8 = vector.broadcast %shift_right_arithmetic3A : i32 to vector<16xi32>
    %shift_right_arithmetic3A_9 = arith.shrsi %add3A_7, %shift_right_arithmetic3A_8 : vector<16xi32>
    %and3A = arith.constant 7 : i32
    %and3A_10 = vector.broadcast %and3A : i32 to vector<16xi32>
    %and3A_11 = arith.andi %add3A_7, %and3A_10 : vector<16xi32>
    %gather3A = tpu.vector_load_idx %arg5[%shift_right_arithmetic3A_9, %and3A_11] : memref<4x128xi32, #tpu.memory_space<vmem>>[vector<16xi32>, vector<16xi32>], vector<16xi32>,
    %swap3A = arith.constant 0 : index
    %swap3A_12 = tpu.vector_load %arg6[%swap3A] {strides = array<i32>} : memref<32xi32, #tpu.memory_space<vmem>>, vector<16xi32>,
    tpu.vector_store %arg6[%swap3A], %gather3A {strides = array<i32>} : memref<32xi32, #tpu.memory_space<vmem>>, vector<16xi32>,
    %iota3A_13 = tpu.iota {dimensions = array<i32: 0>} : vector<16xi32>
    %add3A_14 = arith.constant 16 : i32
    %add3A_15 = vector.broadcast %add3A_14 : i32 to vector<16xi32>
    %add3A_16 = arith.addi %iota3A_13, %add3A_15 : vector<16xi32>
    %shift_right_arithmetic3A_17 = arith.constant 3 : i32
    %shift_right_arithmetic3A_18 = vector.broadcast %shift_right_arithmetic3A_17 : i32 to vector<16xi32>
    %shift_right_arithmetic3A_19 = arith.shrsi %add3A_16, %shift_right_arithmetic3A_18 : vector<16xi32>
    %and3A_20 = arith.constant 7 : i32
    %and3A_21 = vector.broadcast %and3A_20 : i32 to vector<16xi32>
    %and3A_22 = arith.andi %add3A_16, %and3A_21 : vector<16xi32>
    %gather3A_23 = tpu.vector_load_idx %arg5[%shift_right_arithmetic3A_19, %and3A_22] : memref<4x128xi32, #tpu.memory_space<vmem>>[vector<16xi32>, vector<16xi32>], vector<16xi32>,
    %swap3A_24 = arith.constant 16 : index
    %swap3A_25 = tpu.vector_load %arg6[%swap3A_24] {strides = array<i32>} : memref<32xi32, #tpu.memory_space<vmem>>, vector<16xi32>,
    tpu.vector_store %arg6[%swap3A_24], %gather3A_23 {strides = array<i32>} : memref<32xi32, #tpu.memory_space<vmem>>, vector<16xi32>,
    %dma_start3A = arith.constant 0 : i32
    %dma_start3A_26 = tpu.memref_slice %arg6[%dma_start3A] : memref<32xi32, #tpu.memory_space<vmem>> -> memref<8xi32, #tpu.memory_space<vmem>>
    %dma_start3A_27 = arith.constant 0 : i32
    %dma_start3A_28 = arith.constant 0 : i32
    %dma_start3A_29 = arith.constant 0 : i32
    %dma_start3A_30 = tpu.memref_slice %arg2[%dma_start3A_27, %dma_start3A_28, %dma_start3A_29] : memref<512x8x768xf32, #tpu.memory_space<hbm>> -> memref<512x8x768xf32, #tpu.memory_space<hbm>>
    tpu.enqueue_indirect_dma source(%dma_start3A_30 : memref<512x8x768xf32, #tpu.memory_space<hbm>>) target(%arg7 : memref<8x8x768xf32, #tpu.memory_space<vmem>>) offsets(%dma_start3A_26 : memref<8xi32, #tpu.memory_space<vmem>>) semaphore(%arg9 : memref<!tpu.dma_semaphore, #tpu.memory_space<semaphore_mem>>)
    %dma_wait3A = arith.constant 0 : i32
    %dma_wait3A_31 = tpu.memref_slice %arg6[%dma_wait3A] : memref<32xi32, #tpu.memory_space<vmem>> -> memref<8xi32, #tpu.memory_space<vmem>>
    %dma_wait3A_32 = arith.constant 0 : i32
    %dma_wait3A_33 = arith.constant 0 : i32
    %dma_wait3A_34 = arith.constant 0 : i32
    %dma_wait3A_35 = tpu.memref_slice %arg2[%dma_wait3A_32, %dma_wait3A_33, %dma_wait3A_34] : memref<512x8x768xf32, #tpu.memory_space<hbm>> -> memref<512x8x768xf32, #tpu.memory_space<hbm>>
    tpu.wait_indirect_dma semaphore(%arg9 : memref<!tpu.dma_semaphore, #tpu.memory_space<semaphore_mem>>) src(%dma_wait3A_35 : memref<512x8x768xf32, #tpu.memory_space<hbm>>) dst(%arg7 : memref<8x8x768xf32, #tpu.memory_space<vmem>>)
    %add3A_36 = arith.constant 0 : i32
    %add3A_37 = arith.addi %mul3A_2, %add3A_36 : i32
    %dma_start3A_38 = arith.constant 0 : i32
    %dma_start3A_39 = arith.constant 0 : i32
    %dma_start3A_40 = tpu.memref_slice %arg4[%add3A_37, %dma_start3A_38, %dma_start3A_39] : memref<1024x8x768xf32, #tpu.memory_space<hbm>> -> memref<8x8x768xf32, #tpu.memory_space<hbm>>
    %dma_start3A_41 = arith.constant 0 : i32
    %dma_start3A_42 = arith.constant 0 : i32
    %dma_start3A_43 = tpu.memref_slice %arg4[%add3A_37, %dma_start3A_41, %dma_start3A_42] : memref<1024x8x768xf32, #tpu.memory_space<hbm>> -> memref<8x8x768xf32, #tpu.memory_space<hbm>>
    tpu.enqueue_dma source(%arg7 : memref<8x8x768xf32, #tpu.memory_space<vmem>>) target(%dma_start3A_43 : memref<8x8x768xf32, #tpu.memory_space<hbm>>) target_semaphore(%arg11 : memref<!tpu.dma_semaphore, #tpu.memory_space<semaphore_mem>>)
    %dma_start3A_44 = arith.constant 8 : i32
    %dma_start3A_45 = tpu.memref_slice %arg6[%dma_start3A_44] : memref<32xi32, #tpu.memory_space<vmem>> -> memref<8xi32, #tpu.memory_space<vmem>>
    %dma_start3A_46 = arith.constant 0 : i32
    %dma_start3A_47 = arith.constant 0 : i32
    %dma_start3A_48 = arith.constant 0 : i32
    %dma_start3A_49 = tpu.memref_slice %arg2[%dma_start3A_46, %dma_start3A_47, %dma_start3A_48] : memref<512x8x768xf32, #tpu.memory_space<hbm>> -> memref<512x8x768xf32, #tpu.memory_space<hbm>>
    tpu.enqueue_indirect_dma source(%dma_start3A_49 : memref<512x8x768xf32, #tpu.memory_space<hbm>>) target(%arg8 : memref<8x8x768xf32, #tpu.memory_space<vmem>>) offsets(%dma_start3A_45 : memref<8xi32, #tpu.memory_space<vmem>>) semaphore(%arg10 : memref<!tpu.dma_semaphore, #tpu.memory_space<semaphore_mem>>)
    %dma_wait3A_50 = arith.constant 8 : i32
    %dma_wait3A_51 = tpu.memref_slice %arg6[%dma_wait3A_50] : memref<32xi32, #tpu.memory_space<vmem>> -> memref<8xi32, #tpu.memory_space<vmem>>
    %dma_wait3A_52 = arith.constant 0 : i32
    %dma_wait3A_53 = arith.constant 0 : i32
    %dma_wait3A_54 = arith.constant 0 : i32
    %dma_wait3A_55 = tpu.memref_slice %arg2[%dma_wait3A_52, %dma_wait3A_53, %dma_wait3A_54] : memref<512x8x768xf32, #tpu.memory_space<hbm>> -> memref<512x8x768xf32, #tpu.memory_space<hbm>>
    tpu.wait_indirect_dma semaphore(%arg10 : memref<!tpu.dma_semaphore, #tpu.memory_space<semaphore_mem>>) src(%dma_wait3A_55 : memref<512x8x768xf32, #tpu.memory_space<hbm>>) dst(%arg8 : memref<8x8x768xf32, #tpu.memory_space<vmem>>)
    %add3A_56 = arith.constant 8 : i32
    %add3A_57 = arith.addi %mul3A_2, %add3A_56 : i32
    %dma_start3A_58 = arith.constant 0 : i32
    %dma_start3A_59 = arith.constant 0 : i32
    %dma_start3A_60 = tpu.memref_slice %arg4[%add3A_57, %dma_start3A_58, %dma_start3A_59] : memref<1024x8x768xf32, #tpu.memory_space<hbm>> -> memref<8x8x768xf32, #tpu.memory_space<hbm>>
    %dma_start3A_61 = arith.constant 0 : i32
    %dma_start3A_62 = arith.constant 0 : i32
    %dma_start3A_63 = tpu.memref_slice %arg4[%add3A_57, %dma_start3A_61, %dma_start3A_62] : memref<1024x8x768xf32, #tpu.memory_space<hbm>> -> memref<8x8x768xf32, #tpu.memory_space<hbm>>
    tpu.enqueue_dma source(%arg8 : memref<8x8x768xf32, #tpu.memory_space<vmem>>) target(%dma_start3A_63 : memref<8x8x768xf32, #tpu.memory_space<hbm>>) target_semaphore(%arg12 : memref<!tpu.dma_semaphore, #tpu.memory_space<semaphore_mem>>)
    %add3A_64 = arith.constant 0 : i32
    %add3A_65 = arith.addi %mul3A_2, %add3A_64 : i32
    %dma_wait3A_66 = arith.constant 0 : i32
    %dma_wait3A_67 = arith.constant 0 : i32
    %dma_wait3A_68 = tpu.memref_slice %arg4[%add3A_65, %dma_wait3A_66, %dma_wait3A_67] : memref<1024x8x768xf32, #tpu.memory_space<hbm>> -> memref<8x8x768xf32, #tpu.memory_space<hbm>>
    %dma_wait3A_69 = arith.constant 0 : i32
    %dma_wait3A_70 = arith.constant 0 : i32
    %dma_wait3A_71 = tpu.memref_slice %arg4[%add3A_65, %dma_wait3A_69, %dma_wait3A_70] : memref<1024x8x768xf32, #tpu.memory_space<hbm>> -> memref<8x8x768xf32, #tpu.memory_space<hbm>>
    tpu.wait_dma2 semaphore(%arg11 : memref<!tpu.dma_semaphore, #tpu.memory_space<semaphore_mem>>) src(%arg7 : memref<8x8x768xf32, #tpu.memory_space<vmem>>) dst(%dma_wait3A_71 : memref<8x8x768xf32, #tpu.memory_space<hbm>>)
    %dma_start3A_72 = arith.constant 16 : i32
    %dma_start3A_73 = tpu.memref_slice %arg6[%dma_start3A_72] : memref<32xi32, #tpu.memory_space<vmem>> -> memref<8xi32, #tpu.memory_space<vmem>>
    %dma_start3A_74 = arith.constant 0 : i32
    %dma_start3A_75 = arith.constant 0 : i32
    %dma_start3A_76 = arith.constant 0 : i32
    %dma_start3A_77 = tpu.memref_slice %arg2[%dma_start3A_74, %dma_start3A_75, %dma_start3A_76] : memref<512x8x768xf32, #tpu.memory_space<hbm>> -> memref<512x8x768xf32, #tpu.memory_space<hbm>>
    tpu.enqueue_indirect_dma source(%dma_start3A_77 : memref<512x8x768xf32, #tpu.memory_space<hbm>>) target(%arg7 : memref<8x8x768xf32, #tpu.memory_space<vmem>>) offsets(%dma_start3A_73 : memref<8xi32, #tpu.memory_space<vmem>>) semaphore(%arg9 : memref<!tpu.dma_semaphore, #tpu.memory_space<semaphore_mem>>)
    %dma_wait3A_78 = arith.constant 16 : i32
    %dma_wait3A_79 = tpu.memref_slice %arg6[%dma_wait3A_78] : memref<32xi32, #tpu.memory_space<vmem>> -> memref<8xi32, #tpu.memory_space<vmem>>
    %dma_wait3A_80 = arith.constant 0 : i32
    %dma_wait3A_81 = arith.constant 0 : i32
    %dma_wait3A_82 = arith.constant 0 : i32
    %dma_wait3A_83 = tpu.memref_slice %arg2[%dma_wait3A_80, %dma_wait3A_81, %dma_wait3A_82] : memref<512x8x768xf32, #tpu.memory_space<hbm>> -> memref<512x8x768xf32, #tpu.memory_space<hbm>>
    tpu.wait_indirect_dma semaphore(%arg9 : memref<!tpu.dma_semaphore, #tpu.memory_space<semaphore_mem>>) src(%dma_wait3A_83 : memref<512x8x768xf32, #tpu.memory_space<hbm>>) dst(%arg7 : memref<8x8x768xf32, #tpu.memory_space<vmem>>)
    %add3A_84 = arith.constant 16 : i32
    %add3A_85 = arith.addi %mul3A_2, %add3A_84 : i32
    %dma_start3A_86 = arith.constant 0 : i32
    %dma_start3A_87 = arith.constant 0 : i32
    %dma_start3A_88 = tpu.memref_slice %arg4[%add3A_85, %dma_start3A_86, %dma_start3A_87] : memref<1024x8x768xf32, #tpu.memory_space<hbm>> -> memref<8x8x768xf32, #tpu.memory_space<hbm>>
    %dma_start3A_89 = arith.constant 0 : i32
    %dma_start3A_90 = arith.constant 0 : i32
    %dma_start3A_91 = tpu.memref_slice %arg4[%add3A_85, %dma_start3A_89, %dma_start3A_90] : memref<1024x8x768xf32, #tpu.memory_space<hbm>> -> memref<8x8x768xf32, #tpu.memory_space<hbm>>
    tpu.enqueue_dma source(%arg7 : memref<8x8x768xf32, #tpu.memory_space<vmem>>) target(%dma_start3A_91 : memref<8x8x768xf32, #tpu.memory_space<hbm>>) target_semaphore(%arg11 : memref<!tpu.dma_semaphore, #tpu.memory_space<semaphore_mem>>)
    %add3A_92 = arith.constant 8 : i32
    %add3A_93 = arith.addi %mul3A_2, %add3A_92 : i32
    %dma_wait3A_94 = arith.constant 0 : i32
    %dma_wait3A_95 = arith.constant 0 : i32
    %dma_wait3A_96 = tpu.memref_slice %arg4[%add3A_93, %dma_wait3A_94, %dma_wait3A_95] : memref<1024x8x768xf32, #tpu.memory_space<hbm>> -> memref<8x8x768xf32, #tpu.memory_space<hbm>>
    %dma_wait3A_97 = arith.constant 0 : i32
    %dma_wait3A_98 = arith.constant 0 : i32
    %dma_wait3A_99 = tpu.memref_slice %arg4[%add3A_93, %dma_wait3A_97, %dma_wait3A_98] : memref<1024x8x768xf32, #tpu.memory_space<hbm>> -> memref<8x8x768xf32, #tpu.memory_space<hbm>>
    tpu.wait_dma2 semaphore(%arg12 : memref<!tpu.dma_semaphore, #tpu.memory_space<semaphore_mem>>) src(%arg8 : memref<8x8x768xf32, #tpu.memory_space<vmem>>) dst(%dma_wait3A_99 : memref<8x8x768xf32, #tpu.memory_space<hbm>>)
    %dma_start3A_100 = arith.constant 24 : i32
    %dma_start3A_101 = tpu.memref_slice %arg6[%dma_start3A_100] : memref<32xi32, #tpu.memory_space<vmem>> -> memref<8xi32, #tpu.memory_space<vmem>>
    %dma_start3A_102 = arith.constant 0 : i32
    %dma_start3A_103 = arith.constant 0 : i32
    %dma_start3A_104 = arith.constant 0 : i32
    %dma_start3A_105 = tpu.memref_slice %arg2[%dma_start3A_102, %dma_start3A_103, %dma_start3A_104] : memref<512x8x768xf32, #tpu.memory_space<hbm>> -> memref<512x8x768xf32, #tpu.memory_space<hbm>>
    tpu.enqueue_indirect_dma source(%dma_start3A_105 : memref<512x8x768xf32, #tpu.memory_space<hbm>>) target(%arg8 : memref<8x8x768xf32, #tpu.memory_space<vmem>>) offsets(%dma_start3A_101 : memref<8xi32, #tpu.memory_space<vmem>>) semaphore(%arg10 : memref<!tpu.dma_semaphore, #tpu.memory_space<semaphore_mem>>)
    %dma_wait3A_106 = arith.constant 24 : i32
    %dma_wait3A_107 = tpu.memref_slice %arg6[%dma_wait3A_106] : memref<32xi32, #tpu.memory_space<vmem>> -> memref<8xi32, #tpu.memory_space<vmem>>
    %dma_wait3A_108 = arith.constant 0 : i32
    %dma_wait3A_109 = arith.constant 0 : i32
    %dma_wait3A_110 = arith.constant 0 : i32
    %dma_wait3A_111 = tpu.memref_slice %arg2[%dma_wait3A_108, %dma_wait3A_109, %dma_wait3A_110] : memref<512x8x768xf32, #tpu.memory_space<hbm>> -> memref<512x8x768xf32, #tpu.memory_space<hbm>>
    tpu.wait_indirect_dma semaphore(%arg10 : memref<!tpu.dma_semaphore, #tpu.memory_space<semaphore_mem>>) src(%dma_wait3A_111 : memref<512x8x768xf32, #tpu.memory_space<hbm>>) dst(%arg8 : memref<8x8x768xf32, #tpu.memory_space<vmem>>)
    %add3A_112 = arith.constant 24 : i32
    %add3A_113 = arith.addi %mul3A_2, %add3A_112 : i32
    %dma_start3A_114 = arith.constant 0 : i32
    %dma_start3A_115 = arith.constant 0 : i32
    %dma_start3A_116 = tpu.memref_slice %arg4[%add3A_113, %dma_start3A_114, %dma_start3A_115] : memref<1024x8x768xf32, #tpu.memory_space<hbm>> -> memref<8x8x768xf32, #tpu.memory_space<hbm>>
    %dma_start3A_117 = arith.constant 0 : i32
    %dma_start3A_118 = arith.constant 0 : i32
    %dma_start3A_119 = tpu.memref_slice %arg4[%add3A_113, %dma_start3A_117, %dma_start3A_118] : memref<1024x8x768xf32, #tpu.memory_space<hbm>> -> memref<8x8x768xf32, #tpu.memory_space<hbm>>
    tpu.enqueue_dma source(%arg8 : memref<8x8x768xf32, #tpu.memory_space<vmem>>) target(%dma_start3A_119 : memref<8x8x768xf32, #tpu.memory_space<hbm>>) target_semaphore(%arg12 : memref<!tpu.dma_semaphore, #tpu.memory_space<semaphore_mem>>)
    %add3A_120 = arith.constant 16 : i32
    %add3A_121 = arith.addi %mul3A_2, %add3A_120 : i32
    %dma_wait3A_122 = arith.constant 0 : i32
    %dma_wait3A_123 = arith.constant 0 : i32
    %dma_wait3A_124 = tpu.memref_slice %arg4[%add3A_121, %dma_wait3A_122, %dma_wait3A_123] : memref<1024x8x768xf32, #tpu.memory_space<hbm>> -> memref<8x8x768xf32, #tpu.memory_space<hbm>>
    %dma_wait3A_125 = arith.constant 0 : i32
    %dma_wait3A_126 = arith.constant 0 : i32
    %dma_wait3A_127 = tpu.memref_slice %arg4[%add3A_121, %dma_wait3A_125, %dma_wait3A_126] : memref<1024x8x768xf32, #tpu.memory_space<hbm>> -> memref<8x8x768xf32, #tpu.memory_space<hbm>>
    tpu.wait_dma2 semaphore(%arg11 : memref<!tpu.dma_semaphore, #tpu.memory_space<semaphore_mem>>) src(%arg7 : memref<8x8x768xf32, #tpu.memory_space<vmem>>) dst(%dma_wait3A_127 : memref<8x8x768xf32, #tpu.memory_space<hbm>>)
    %add3A_128 = arith.constant 24 : i32
    %add3A_129 = arith.addi %mul3A_2, %add3A_128 : i32
    %dma_wait3A_130 = arith.constant 0 : i32
    %dma_wait3A_131 = arith.constant 0 : i32
    %dma_wait3A_132 = tpu.memref_slice %arg4[%add3A_129, %dma_wait3A_130, %dma_wait3A_131] : memref<1024x8x768xf32, #tpu.memory_space<hbm>> -> memref<8x8x768xf32, #tpu.memory_space<hbm>>
    %dma_wait3A_133 = arith.constant 0 : i32
    %dma_wait3A_134 = arith.constant 0 : i32
    %dma_wait3A_135 = tpu.memref_slice %arg4[%add3A_129, %dma_wait3A_133, %dma_wait3A_134] : memref<1024x8x768xf32, #tpu.memory_space<hbm>> -> memref<8x8x768xf32, #tpu.memory_space<hbm>>
    tpu.wait_dma2 semaphore(%arg12 : memref<!tpu.dma_semaphore, #tpu.memory_space<semaphore_mem>>) src(%arg8 : memref<8x8x768xf32, #tpu.memory_space<vmem>>) dst(%dma_wait3A_135 : memref<8x8x768xf32, #tpu.memory_space<hbm>>)
    return
  }
}

module attributes {stable_mosaic.version = 14 : i64} {
  func.func @_tc_body(%arg0: i32, %arg1: memref<28x128x768xf32, #tpu.memory_space<vmem>>, %arg2: memref<512x768xf32, #tpu.memory_space<vmem>>, %arg3: memref<128x512xf32, #tpu.memory_space<vmem>>, %arg4: memref<128x8xi32, #tpu.memory_space<vmem>>, %arg5: memref<1x1xf32, #tpu.memory_space<vmem>>, %arg6: memref<128x128xi32, #tpu.memory_space<vmem>>, %arg7: memref<128x768xf32, #tpu.memory_space<vmem>>) attributes {dimension_semantics = [#tpu.dimension_semantics<arbitrary>], iteration_bounds = array<i64: 7>, scalar_prefetch = 0 : i64, scratch_operands = 1 : i64, tpu.core_type = #tpu.core_type<tc>, window_params = [{transform_indices = @transform_0, window_bounds = array<i64: 28, 128, 768>}, {pipeline_mode = #tpu.pipeline_mode<synchronous>, transform_indices = @transform_1, window_bounds = array<i64: 512, 768>}, {pipeline_mode = #tpu.pipeline_mode<synchronous>, transform_indices = @transform_2, window_bounds = array<i64: 128, 512>}, {pipeline_mode = #tpu.pipeline_mode<synchronous>, transform_indices = @transform_3, window_bounds = array<i64: 128, 8>}, {pipeline_mode = #tpu.pipeline_mode<synchronous>, transform_indices = @transform_4, window_bounds = array<i64: 1, 1>}, {pipeline_mode = #tpu.pipeline_mode<synchronous>, transform_indices = @transform_5, window_bounds = array<i64: 128, 128>}]} {
    %get3A = arith.constant 0 : index
    %get3A_0 = arith.constant 0 : index
    %get3A_1 = arith.constant 0 : index
    %get3A_2 = vector.load %arg1[%get3A, %get3A_0, %get3A_1] : memref<28x128x768xf32, #tpu.memory_space<vmem>>, vector<28x128x768xf32>
    %reduce_sum3A = arith.constant dense<0.000000e+00> : vector<128x768xf32>
    %reduce_sum3A_3 = vector.multi_reduction <add>, %get3A_2, %reduce_sum3A [0] : vector<28x128x768xf32> to vector<128x768xf32>
    %eq3A = arith.constant 0 : i32
    %eq3A_4 = arith.cmpi eq, %arg0, %eq3A : i32
    %convert_element_type3A = arith.extui %eq3A_4 : i1 to i32
    %cond3A = arith.constant 0 : i32
    %cond3A_5 = arith.cmpi ne, %convert_element_type3A, %cond3A : i32
    scf.if %cond3A_5 {
      %swap3A = arith.constant 0 : index
      %swap3A_15 = arith.constant 0 : index
      %swap3A_16 = vector.load %arg7[%swap3A, %swap3A_15] : memref<128x768xf32, #tpu.memory_space<vmem>>, vector<128x768xf32>
      tpu.vector_store %arg7[%swap3A, %swap3A_15], %reduce_sum3A_3 {strides = array<i32>} : memref<128x768xf32, #tpu.memory_space<vmem>>, vector<128x768xf32>,
    } else {
    }
    %gt3A = arith.constant 0 : i32
    %gt3A_6 = arith.cmpi sgt, %arg0, %gt3A : i32
    %convert_element_type3A_7 = arith.extui %gt3A_6 : i1 to i32
    %cond3A_8 = arith.constant 0 : i32
    %cond3A_9 = arith.cmpi ne, %convert_element_type3A_7, %cond3A_8 : i32
    scf.if %cond3A_9 {
      %get3A_15 = arith.constant 0 : index
      %get3A_16 = arith.constant 0 : index
      %get3A_17 = vector.load %arg7[%get3A_15, %get3A_16] : memref<128x768xf32, #tpu.memory_space<vmem>>, vector<128x768xf32>
      %add3A = arith.addf %get3A_17, %reduce_sum3A_3 : vector<128x768xf32>
      %swap3A = arith.constant 0 : index
      %swap3A_18 = arith.constant 0 : index
      %swap3A_19 = vector.load %arg7[%swap3A, %swap3A_18] : memref<128x768xf32, #tpu.memory_space<vmem>>, vector<128x768xf32>
      tpu.vector_store %arg7[%swap3A, %swap3A_18], %add3A {strides = array<i32>} : memref<128x768xf32, #tpu.memory_space<vmem>>, vector<128x768xf32>,
    } else {
    }
    %eq3A_10 = arith.constant 6 : i32
    %eq3A_11 = arith.cmpi eq, %arg0, %eq3A_10 : i32
    %convert_element_type3A_12 = arith.extui %eq3A_11 : i1 to i32
    %cond3A_13 = arith.constant 0 : i32
    %cond3A_14 = arith.cmpi ne, %convert_element_type3A_12, %cond3A_13 : i32
    scf.if %cond3A_14 {
      %get3A_15 = arith.constant 0 : index
      %get3A_16 = arith.constant 0 : index
      %get3A_17 = vector.load %arg7[%get3A_15, %get3A_16] : memref<128x768xf32, #tpu.memory_space<vmem>>, vector<128x768xf32>
      %mul3A = arith.constant 0.00510204071 : f32
      %mul3A_18 = vector.broadcast %mul3A : f32 to vector<128x768xf32>
      %mul3A_19 = arith.mulf %get3A_17, %mul3A_18 : vector<128x768xf32>
      %mul3A_20 = arith.mulf %mul3A_19, %mul3A_19 : vector<128x768xf32>
      %slice3A = vector.extract_strided_slice %mul3A_20 {offsets = [0, 0], sizes = [128, 128], strides = [1, 1]} : vector<128x768xf32> to vector<128x128xf32>
      %reduce_sum3A_21 = arith.constant dense<0.000000e+00> : vector<128xf32>
      %reduce_sum3A_22 = vector.multi_reduction <add>, %slice3A, %reduce_sum3A_21 [1] : vector<128x128xf32> to vector<128xf32>
      %broadcast_in_dim3A = vector.shape_cast %reduce_sum3A_22 : vector<128xf32> to vector<128x1xf32>
      %slice3A_23 = vector.extract_strided_slice %mul3A_20 {offsets = [0, 128], sizes = [128, 128], strides = [1, 1]} : vector<128x768xf32> to vector<128x128xf32>
      %reduce_sum3A_24 = arith.constant dense<0.000000e+00> : vector<128xf32>
      %reduce_sum3A_25 = vector.multi_reduction <add>, %slice3A_23, %reduce_sum3A_24 [1] : vector<128x128xf32> to vector<128xf32>
      %broadcast_in_dim3A_26 = vector.shape_cast %reduce_sum3A_25 : vector<128xf32> to vector<128x1xf32>
      %add3A = arith.addf %broadcast_in_dim3A, %broadcast_in_dim3A_26 : vector<128x1xf32>
      %slice3A_27 = vector.extract_strided_slice %mul3A_20 {offsets = [0, 256], sizes = [128, 128], strides = [1, 1]} : vector<128x768xf32> to vector<128x128xf32>
      %reduce_sum3A_28 = arith.constant dense<0.000000e+00> : vector<128xf32>
      %reduce_sum3A_29 = vector.multi_reduction <add>, %slice3A_27, %reduce_sum3A_28 [1] : vector<128x128xf32> to vector<128xf32>
      %broadcast_in_dim3A_30 = vector.shape_cast %reduce_sum3A_29 : vector<128xf32> to vector<128x1xf32>
      %add3A_31 = arith.addf %add3A, %broadcast_in_dim3A_30 : vector<128x1xf32>
      %slice3A_32 = vector.extract_strided_slice %mul3A_20 {offsets = [0, 384], sizes = [128, 128], strides = [1, 1]} : vector<128x768xf32> to vector<128x128xf32>
      %reduce_sum3A_33 = arith.constant dense<0.000000e+00> : vector<128xf32>
      %reduce_sum3A_34 = vector.multi_reduction <add>, %slice3A_32, %reduce_sum3A_33 [1] : vector<128x128xf32> to vector<128xf32>
      %broadcast_in_dim3A_35 = vector.shape_cast %reduce_sum3A_34 : vector<128xf32> to vector<128x1xf32>
      %add3A_36 = arith.addf %add3A_31, %broadcast_in_dim3A_35 : vector<128x1xf32>
      %slice3A_37 = vector.extract_strided_slice %mul3A_20 {offsets = [0, 512], sizes = [128, 128], strides = [1, 1]} : vector<128x768xf32> to vector<128x128xf32>
      %reduce_sum3A_38 = arith.constant dense<0.000000e+00> : vector<128xf32>
      %reduce_sum3A_39 = vector.multi_reduction <add>, %slice3A_37, %reduce_sum3A_38 [1] : vector<128x128xf32> to vector<128xf32>
      %broadcast_in_dim3A_40 = vector.shape_cast %reduce_sum3A_39 : vector<128xf32> to vector<128x1xf32>
      %add3A_41 = arith.addf %add3A_36, %broadcast_in_dim3A_40 : vector<128x1xf32>
      %slice3A_42 = vector.extract_strided_slice %mul3A_20 {offsets = [0, 640], sizes = [128, 128], strides = [1, 1]} : vector<128x768xf32> to vector<128x128xf32>
      %reduce_sum3A_43 = arith.constant dense<0.000000e+00> : vector<128xf32>
      %reduce_sum3A_44 = vector.multi_reduction <add>, %slice3A_42, %reduce_sum3A_43 [1] : vector<128x128xf32> to vector<128xf32>
      %broadcast_in_dim3A_45 = vector.shape_cast %reduce_sum3A_44 : vector<128xf32> to vector<128x1xf32>
      %add3A_46 = arith.addf %add3A_41, %broadcast_in_dim3A_45 : vector<128x1xf32>
      %max3A = arith.constant 9.99999996E-13 : f32
      %max3A_47 = vector.broadcast %max3A : f32 to vector<128x1xf32>
      %max3A_48 = arith.maximumf %add3A_46, %max3A_47 : vector<128x1xf32>
      %rsqrt3A = math.rsqrt %max3A_48 : vector<128x1xf32>
      %mul3A_49 = vector.broadcast %rsqrt3A : vector<128x1xf32> to vector<128x768xf32>
      %mul3A_50 = arith.mulf %mul3A_19, %mul3A_49 : vector<128x768xf32>
      %get3A_51 = arith.constant 0 : index
      %get3A_52 = arith.constant 0 : index
      %get3A_53 = vector.load %arg2[%get3A_51, %get3A_52] : memref<512x768xf32, #tpu.memory_space<vmem>>, vector<512x768xf32>
      %mul3A_54 = arith.mulf %get3A_53, %get3A_53 : vector<512x768xf32>
      %slice3A_55 = vector.extract_strided_slice %mul3A_54 {offsets = [0, 0], sizes = [512, 128], strides = [1, 1]} : vector<512x768xf32> to vector<512x128xf32>
      %reduce_sum3A_56 = arith.constant dense<0.000000e+00> : vector<512xf32>
      %reduce_sum3A_57 = vector.multi_reduction <add>, %slice3A_55, %reduce_sum3A_56 [1] : vector<512x128xf32> to vector<512xf32>
      %broadcast_in_dim3A_58 = vector.shape_cast %reduce_sum3A_57 : vector<512xf32> to vector<512x1xf32>
      %slice3A_59 = vector.extract_strided_slice %mul3A_54 {offsets = [0, 128], sizes = [512, 128], strides = [1, 1]} : vector<512x768xf32> to vector<512x128xf32>
      %reduce_sum3A_60 = arith.constant dense<0.000000e+00> : vector<512xf32>
      %reduce_sum3A_61 = vector.multi_reduction <add>, %slice3A_59, %reduce_sum3A_60 [1] : vector<512x128xf32> to vector<512xf32>
      %broadcast_in_dim3A_62 = vector.shape_cast %reduce_sum3A_61 : vector<512xf32> to vector<512x1xf32>
      %add3A_63 = arith.addf %broadcast_in_dim3A_58, %broadcast_in_dim3A_62 : vector<512x1xf32>
      %slice3A_64 = vector.extract_strided_slice %mul3A_54 {offsets = [0, 256], sizes = [512, 128], strides = [1, 1]} : vector<512x768xf32> to vector<512x128xf32>
      %reduce_sum3A_65 = arith.constant dense<0.000000e+00> : vector<512xf32>
      %reduce_sum3A_66 = vector.multi_reduction <add>, %slice3A_64, %reduce_sum3A_65 [1] : vector<512x128xf32> to vector<512xf32>
      %broadcast_in_dim3A_67 = vector.shape_cast %reduce_sum3A_66 : vector<512xf32> to vector<512x1xf32>
      %add3A_68 = arith.addf %add3A_63, %broadcast_in_dim3A_67 : vector<512x1xf32>
      %slice3A_69 = vector.extract_strided_slice %mul3A_54 {offsets = [0, 384], sizes = [512, 128], strides = [1, 1]} : vector<512x768xf32> to vector<512x128xf32>
      %reduce_sum3A_70 = arith.constant dense<0.000000e+00> : vector<512xf32>
      %reduce_sum3A_71 = vector.multi_reduction <add>, %slice3A_69, %reduce_sum3A_70 [1] : vector<512x128xf32> to vector<512xf32>
      %broadcast_in_dim3A_72 = vector.shape_cast %reduce_sum3A_71 : vector<512xf32> to vector<512x1xf32>
      %add3A_73 = arith.addf %add3A_68, %broadcast_in_dim3A_72 : vector<512x1xf32>
      %slice3A_74 = vector.extract_strided_slice %mul3A_54 {offsets = [0, 512], sizes = [512, 128], strides = [1, 1]} : vector<512x768xf32> to vector<512x128xf32>
      %reduce_sum3A_75 = arith.constant dense<0.000000e+00> : vector<512xf32>
      %reduce_sum3A_76 = vector.multi_reduction <add>, %slice3A_74, %reduce_sum3A_75 [1] : vector<512x128xf32> to vector<512xf32>
      %broadcast_in_dim3A_77 = vector.shape_cast %reduce_sum3A_76 : vector<512xf32> to vector<512x1xf32>
      %add3A_78 = arith.addf %add3A_73, %broadcast_in_dim3A_77 : vector<512x1xf32>
      %slice3A_79 = vector.extract_strided_slice %mul3A_54 {offsets = [0, 640], sizes = [512, 128], strides = [1, 1]} : vector<512x768xf32> to vector<512x128xf32>
      %reduce_sum3A_80 = arith.constant dense<0.000000e+00> : vector<512xf32>
      %reduce_sum3A_81 = vector.multi_reduction <add>, %slice3A_79, %reduce_sum3A_80 [1] : vector<512x128xf32> to vector<512xf32>
      %broadcast_in_dim3A_82 = vector.shape_cast %reduce_sum3A_81 : vector<512xf32> to vector<512x1xf32>
      %add3A_83 = arith.addf %add3A_78, %broadcast_in_dim3A_82 : vector<512x1xf32>
      %max3A_84 = arith.constant 9.99999996E-13 : f32
      %max3A_85 = vector.broadcast %max3A_84 : f32 to vector<512x1xf32>
      %max3A_86 = arith.maximumf %add3A_83, %max3A_85 : vector<512x1xf32>
      %rsqrt3A_87 = math.rsqrt %max3A_86 : vector<512x1xf32>
      %mul3A_88 = vector.broadcast %rsqrt3A_87 : vector<512x1xf32> to vector<512x768xf32>
      %mul3A_89 = arith.mulf %get3A_53, %mul3A_88 : vector<512x768xf32>
      %dot_general3A = arith.constant dense<0.000000e+00> : vector<512x128xf32>
      %dot_general3A_90 = tpu.matmul %mul3A_89, %mul3A_50, %dot_general3A {dimension_numbers = #tpu.dot_dimension_numbers<[1], [1], [0], [0], [0, 0, 1, 0], [], []>, transpose_lhs_hint = false} : vector<512x768xf32>, vector<128x768xf32>, vector<512x128xf32> -> vector<512x128xf32>
      %transpose3A = tpu.transpose %dot_general3A_90, [1, 0] : vector<512x128xf32> -> vector<128x512xf32>
      %swap3A = arith.constant 0 : index
      %swap3A_91 = arith.constant 0 : index
      %swap3A_92 = vector.load %arg3[%swap3A, %swap3A_91] : memref<128x512xf32, #tpu.memory_space<vmem>>, vector<128x512xf32>
      tpu.vector_store %arg3[%swap3A, %swap3A_91], %transpose3A {strides = array<i32>} : memref<128x512xf32, #tpu.memory_space<vmem>>, vector<128x512xf32>,
      %iota3A = tpu.iota {dimensions = array<i32: 1>} : vector<128x512xi32>
      %broadcast_in_dim3A_93 = arith.constant 0.000000e+00 : f32
      %broadcast_in_dim3A_94 = vector.broadcast %broadcast_in_dim3A_93 : f32 to vector<1x1xf32>
      %reduce_max3A = arith.constant dense<0xFF800000> : vector<128xf32>
      %reduce_max3A_95 = vector.multi_reduction <maximumf>, %transpose3A, %reduce_max3A [1] : vector<128x512xf32> to vector<128xf32>
      %broadcast_in_dim3A_96 = vector.shape_cast %reduce_max3A_95 : vector<128xf32> to vector<128x1xf32>
      %eq3A_97 = vector.broadcast %broadcast_in_dim3A_96 : vector<128x1xf32> to vector<128x512xf32>
      %eq3A_98 = arith.cmpf oeq, %transpose3A, %eq3A_97 : vector<128x512xf32>
      %jit3A = arith.constant 512 : i32
      %broadcast_in_dim3A_99 = vector.broadcast %jit3A : i32 to vector<128x512xi32>
      %select_n3A = arith.select %eq3A_98, %iota3A, %broadcast_in_dim3A_99 : vector<128x512xi1>, vector<128x512xi32>
      %reduce_min3A = arith.constant dense<2147483647> : vector<128xi32>
      %reduce_min3A_100 = vector.multi_reduction <minsi>, %select_n3A, %reduce_min3A [1] : vector<128x512xi32> to vector<128xi32>
      %broadcast_in_dim3A_101 = vector.shape_cast %reduce_min3A_100 : vector<128xi32> to vector<128x1xi32>
      %reduce_sum3A_102 = vector.shape_cast %broadcast_in_dim3A_96 : vector<128x1xf32> to vector<1x128x1xf32>
      %reduce_sum3A_103 = arith.constant dense<0.000000e+00> : vector<1xf32>
      %reduce_sum3A_104 = vector.multi_reduction <add>, %reduce_sum3A_102, %reduce_sum3A_103 [1, 2] : vector<1x128x1xf32> to vector<1xf32>
      %reduce_sum3A_105 = vector.shape_cast %reduce_sum3A_104 : vector<1xf32> to vector<1x1x1xf32>
      %reduce_sum3A_106 = vector.extract %reduce_sum3A_105[0, 0, 0] : f32 from vector<1x1x1xf32>
      %broadcast_in_dim3A_107 = vector.broadcast %reduce_sum3A_106 : f32 to vector<1x1xf32>
      %add3A_108 = arith.addf %broadcast_in_dim3A_94, %broadcast_in_dim3A_107 : vector<1x1xf32>
      %eq3A_109 = vector.broadcast %broadcast_in_dim3A_101 : vector<128x1xi32> to vector<128x512xi32>
      %eq3A_110 = arith.cmpi eq, %iota3A, %eq3A_109 : vector<128x512xi32>
      %jit3A_111 = arith.constant 0xFF800000 : f32
      %broadcast_in_dim3A_112 = vector.broadcast %jit3A_111 : f32 to vector<128x512xf32>
      %select_n3A_113 = arith.select %eq3A_110, %broadcast_in_dim3A_112, %transpose3A : vector<128x512xi1>, vector<128x512xf32>
      %reduce_max3A_114 = arith.constant dense<0xFF800000> : vector<128xf32>
      %reduce_max3A_115 = vector.multi_reduction <maximumf>, %select_n3A_113, %reduce_max3A_114 [1] : vector<128x512xf32> to vector<128xf32>
      %broadcast_in_dim3A_116 = vector.shape_cast %reduce_max3A_115 : vector<128xf32> to vector<128x1xf32>
      %eq3A_117 = vector.broadcast %broadcast_in_dim3A_116 : vector<128x1xf32> to vector<128x512xf32>
      %eq3A_118 = arith.cmpf oeq, %select_n3A_113, %eq3A_117 : vector<128x512xf32>
      %jit3A_119 = arith.constant 512 : i32
      %broadcast_in_dim3A_120 = vector.broadcast %jit3A_119 : i32 to vector<128x512xi32>
      %select_n3A_121 = arith.select %eq3A_118, %iota3A, %broadcast_in_dim3A_120 : vector<128x512xi1>, vector<128x512xi32>
      %reduce_min3A_122 = arith.constant dense<2147483647> : vector<128xi32>
      %reduce_min3A_123 = vector.multi_reduction <minsi>, %select_n3A_121, %reduce_min3A_122 [1] : vector<128x512xi32> to vector<128xi32>
      %broadcast_in_dim3A_124 = vector.shape_cast %reduce_min3A_123 : vector<128xi32> to vector<128x1xi32>
      %reduce_sum3A_125 = vector.shape_cast %broadcast_in_dim3A_116 : vector<128x1xf32> to vector<1x128x1xf32>
      %reduce_sum3A_126 = arith.constant dense<0.000000e+00> : vector<1xf32>
      %reduce_sum3A_127 = vector.multi_reduction <add>, %reduce_sum3A_125, %reduce_sum3A_126 [1, 2] : vector<1x128x1xf32> to vector<1xf32>
      %reduce_sum3A_128 = vector.shape_cast %reduce_sum3A_127 : vector<1xf32> to vector<1x1x1xf32>
      %reduce_sum3A_129 = vector.extract %reduce_sum3A_128[0, 0, 0] : f32 from vector<1x1x1xf32>
      %broadcast_in_dim3A_130 = vector.broadcast %reduce_sum3A_129 : f32 to vector<1x1xf32>
      %add3A_131 = arith.addf %add3A_108, %broadcast_in_dim3A_130 : vector<1x1xf32>
      %eq3A_132 = vector.broadcast %broadcast_in_dim3A_124 : vector<128x1xi32> to vector<128x512xi32>
      %eq3A_133 = arith.cmpi eq, %iota3A, %eq3A_132 : vector<128x512xi32>
      %jit3A_134 = arith.constant 0xFF800000 : f32
      %broadcast_in_dim3A_135 = vector.broadcast %jit3A_134 : f32 to vector<128x512xf32>
      %select_n3A_136 = arith.select %eq3A_133, %broadcast_in_dim3A_135, %select_n3A_113 : vector<128x512xi1>, vector<128x512xf32>
      %reduce_max3A_137 = arith.constant dense<0xFF800000> : vector<128xf32>
      %reduce_max3A_138 = vector.multi_reduction <maximumf>, %select_n3A_136, %reduce_max3A_137 [1] : vector<128x512xf32> to vector<128xf32>
      %broadcast_in_dim3A_139 = vector.shape_cast %reduce_max3A_138 : vector<128xf32> to vector<128x1xf32>
      %eq3A_140 = vector.broadcast %broadcast_in_dim3A_139 : vector<128x1xf32> to vector<128x512xf32>
      %eq3A_141 = arith.cmpf oeq, %select_n3A_136, %eq3A_140 : vector<128x512xf32>
      %jit3A_142 = arith.constant 512 : i32
      %broadcast_in_dim3A_143 = vector.broadcast %jit3A_142 : i32 to vector<128x512xi32>
      %select_n3A_144 = arith.select %eq3A_141, %iota3A, %broadcast_in_dim3A_143 : vector<128x512xi1>, vector<128x512xi32>
      %reduce_min3A_145 = arith.constant dense<2147483647> : vector<128xi32>
      %reduce_min3A_146 = vector.multi_reduction <minsi>, %select_n3A_144, %reduce_min3A_145 [1] : vector<128x512xi32> to vector<128xi32>
      %broadcast_in_dim3A_147 = vector.shape_cast %reduce_min3A_146 : vector<128xi32> to vector<128x1xi32>
      %reduce_sum3A_148 = vector.shape_cast %broadcast_in_dim3A_139 : vector<128x1xf32> to vector<1x128x1xf32>
      %reduce_sum3A_149 = arith.constant dense<0.000000e+00> : vector<1xf32>
      %reduce_sum3A_150 = vector.multi_reduction <add>, %reduce_sum3A_148, %reduce_sum3A_149 [1, 2] : vector<1x128x1xf32> to vector<1xf32>
      %reduce_sum3A_151 = vector.shape_cast %reduce_sum3A_150 : vector<1xf32> to vector<1x1x1xf32>
      %reduce_sum3A_152 = vector.extract %reduce_sum3A_151[0, 0, 0] : f32 from vector<1x1x1xf32>
      %broadcast_in_dim3A_153 = vector.broadcast %reduce_sum3A_152 : f32 to vector<1x1xf32>
      %add3A_154 = arith.addf %add3A_131, %broadcast_in_dim3A_153 : vector<1x1xf32>
      %eq3A_155 = vector.broadcast %broadcast_in_dim3A_147 : vector<128x1xi32> to vector<128x512xi32>
      %eq3A_156 = arith.cmpi eq, %iota3A, %eq3A_155 : vector<128x512xi32>
      %jit3A_157 = arith.constant 0xFF800000 : f32
      %broadcast_in_dim3A_158 = vector.broadcast %jit3A_157 : f32 to vector<128x512xf32>
      %select_n3A_159 = arith.select %eq3A_156, %broadcast_in_dim3A_158, %select_n3A_136 : vector<128x512xi1>, vector<128x512xf32>
      %reduce_max3A_160 = arith.constant dense<0xFF800000> : vector<128xf32>
      %reduce_max3A_161 = vector.multi_reduction <maximumf>, %select_n3A_159, %reduce_max3A_160 [1] : vector<128x512xf32> to vector<128xf32>
      %broadcast_in_dim3A_162 = vector.shape_cast %reduce_max3A_161 : vector<128xf32> to vector<128x1xf32>
      %eq3A_163 = vector.broadcast %broadcast_in_dim3A_162 : vector<128x1xf32> to vector<128x512xf32>
      %eq3A_164 = arith.cmpf oeq, %select_n3A_159, %eq3A_163 : vector<128x512xf32>
      %jit3A_165 = arith.constant 512 : i32
      %broadcast_in_dim3A_166 = vector.broadcast %jit3A_165 : i32 to vector<128x512xi32>
      %select_n3A_167 = arith.select %eq3A_164, %iota3A, %broadcast_in_dim3A_166 : vector<128x512xi1>, vector<128x512xi32>
      %reduce_min3A_168 = arith.constant dense<2147483647> : vector<128xi32>
      %reduce_min3A_169 = vector.multi_reduction <minsi>, %select_n3A_167, %reduce_min3A_168 [1] : vector<128x512xi32> to vector<128xi32>
      %broadcast_in_dim3A_170 = vector.shape_cast %reduce_min3A_169 : vector<128xi32> to vector<128x1xi32>
      %reduce_sum3A_171 = vector.shape_cast %broadcast_in_dim3A_162 : vector<128x1xf32> to vector<1x128x1xf32>
      %reduce_sum3A_172 = arith.constant dense<0.000000e+00> : vector<1xf32>
      %reduce_sum3A_173 = vector.multi_reduction <add>, %reduce_sum3A_171, %reduce_sum3A_172 [1, 2] : vector<1x128x1xf32> to vector<1xf32>
      %reduce_sum3A_174 = vector.shape_cast %reduce_sum3A_173 : vector<1xf32> to vector<1x1x1xf32>
      %reduce_sum3A_175 = vector.extract %reduce_sum3A_174[0, 0, 0] : f32 from vector<1x1x1xf32>
      %broadcast_in_dim3A_176 = vector.broadcast %reduce_sum3A_175 : f32 to vector<1x1xf32>
      %add3A_177 = arith.addf %add3A_154, %broadcast_in_dim3A_176 : vector<1x1xf32>
      %eq3A_178 = vector.broadcast %broadcast_in_dim3A_170 : vector<128x1xi32> to vector<128x512xi32>
      %eq3A_179 = arith.cmpi eq, %iota3A, %eq3A_178 : vector<128x512xi32>
      %jit3A_180 = arith.constant 0xFF800000 : f32
      %broadcast_in_dim3A_181 = vector.broadcast %jit3A_180 : f32 to vector<128x512xf32>
      %select_n3A_182 = arith.select %eq3A_179, %broadcast_in_dim3A_181, %select_n3A_159 : vector<128x512xi1>, vector<128x512xf32>
      %reduce_max3A_183 = arith.constant dense<0xFF800000> : vector<128xf32>
      %reduce_max3A_184 = vector.multi_reduction <maximumf>, %select_n3A_182, %reduce_max3A_183 [1] : vector<128x512xf32> to vector<128xf32>
      %broadcast_in_dim3A_185 = vector.shape_cast %reduce_max3A_184 : vector<128xf32> to vector<128x1xf32>
      %eq3A_186 = vector.broadcast %broadcast_in_dim3A_185 : vector<128x1xf32> to vector<128x512xf32>
      %eq3A_187 = arith.cmpf oeq, %select_n3A_182, %eq3A_186 : vector<128x512xf32>
      %jit3A_188 = arith.constant 512 : i32
      %broadcast_in_dim3A_189 = vector.broadcast %jit3A_188 : i32 to vector<128x512xi32>
      %select_n3A_190 = arith.select %eq3A_187, %iota3A, %broadcast_in_dim3A_189 : vector<128x512xi1>, vector<128x512xi32>
      %reduce_min3A_191 = arith.constant dense<2147483647> : vector<128xi32>
      %reduce_min3A_192 = vector.multi_reduction <minsi>, %select_n3A_190, %reduce_min3A_191 [1] : vector<128x512xi32> to vector<128xi32>
      %broadcast_in_dim3A_193 = vector.shape_cast %reduce_min3A_192 : vector<128xi32> to vector<128x1xi32>
      %reduce_sum3A_194 = vector.shape_cast %broadcast_in_dim3A_185 : vector<128x1xf32> to vector<1x128x1xf32>
      %reduce_sum3A_195 = arith.constant dense<0.000000e+00> : vector<1xf32>
      %reduce_sum3A_196 = vector.multi_reduction <add>, %reduce_sum3A_194, %reduce_sum3A_195 [1, 2] : vector<1x128x1xf32> to vector<1xf32>
      %reduce_sum3A_197 = vector.shape_cast %reduce_sum3A_196 : vector<1xf32> to vector<1x1x1xf32>
      %reduce_sum3A_198 = vector.extract %reduce_sum3A_197[0, 0, 0] : f32 from vector<1x1x1xf32>
      %broadcast_in_dim3A_199 = vector.broadcast %reduce_sum3A_198 : f32 to vector<1x1xf32>
      %add3A_200 = arith.addf %add3A_177, %broadcast_in_dim3A_199 : vector<1x1xf32>
      %eq3A_201 = vector.broadcast %broadcast_in_dim3A_193 : vector<128x1xi32> to vector<128x512xi32>
      %eq3A_202 = arith.cmpi eq, %iota3A, %eq3A_201 : vector<128x512xi32>
      %jit3A_203 = arith.constant 0xFF800000 : f32
      %broadcast_in_dim3A_204 = vector.broadcast %jit3A_203 : f32 to vector<128x512xf32>
      %select_n3A_205 = arith.select %eq3A_202, %broadcast_in_dim3A_204, %select_n3A_182 : vector<128x512xi1>, vector<128x512xf32>
      %reduce_max3A_206 = arith.constant dense<0xFF800000> : vector<128xf32>
      %reduce_max3A_207 = vector.multi_reduction <maximumf>, %select_n3A_205, %reduce_max3A_206 [1] : vector<128x512xf32> to vector<128xf32>
      %broadcast_in_dim3A_208 = vector.shape_cast %reduce_max3A_207 : vector<128xf32> to vector<128x1xf32>
      %eq3A_209 = vector.broadcast %broadcast_in_dim3A_208 : vector<128x1xf32> to vector<128x512xf32>
      %eq3A_210 = arith.cmpf oeq, %select_n3A_205, %eq3A_209 : vector<128x512xf32>
      %jit3A_211 = arith.constant 512 : i32
      %broadcast_in_dim3A_212 = vector.broadcast %jit3A_211 : i32 to vector<128x512xi32>
      %select_n3A_213 = arith.select %eq3A_210, %iota3A, %broadcast_in_dim3A_212 : vector<128x512xi1>, vector<128x512xi32>
      %reduce_min3A_214 = arith.constant dense<2147483647> : vector<128xi32>
      %reduce_min3A_215 = vector.multi_reduction <minsi>, %select_n3A_213, %reduce_min3A_214 [1] : vector<128x512xi32> to vector<128xi32>
      %broadcast_in_dim3A_216 = vector.shape_cast %reduce_min3A_215 : vector<128xi32> to vector<128x1xi32>
      %reduce_sum3A_217 = vector.shape_cast %broadcast_in_dim3A_208 : vector<128x1xf32> to vector<1x128x1xf32>
      %reduce_sum3A_218 = arith.constant dense<0.000000e+00> : vector<1xf32>
      %reduce_sum3A_219 = vector.multi_reduction <add>, %reduce_sum3A_217, %reduce_sum3A_218 [1, 2] : vector<1x128x1xf32> to vector<1xf32>
      %reduce_sum3A_220 = vector.shape_cast %reduce_sum3A_219 : vector<1xf32> to vector<1x1x1xf32>
      %reduce_sum3A_221 = vector.extract %reduce_sum3A_220[0, 0, 0] : f32 from vector<1x1x1xf32>
      %broadcast_in_dim3A_222 = vector.broadcast %reduce_sum3A_221 : f32 to vector<1x1xf32>
      %add3A_223 = arith.addf %add3A_200, %broadcast_in_dim3A_222 : vector<1x1xf32>
      %eq3A_224 = vector.broadcast %broadcast_in_dim3A_216 : vector<128x1xi32> to vector<128x512xi32>
      %eq3A_225 = arith.cmpi eq, %iota3A, %eq3A_224 : vector<128x512xi32>
      %jit3A_226 = arith.constant 0xFF800000 : f32
      %broadcast_in_dim3A_227 = vector.broadcast %jit3A_226 : f32 to vector<128x512xf32>
      %select_n3A_228 = arith.select %eq3A_225, %broadcast_in_dim3A_227, %select_n3A_205 : vector<128x512xi1>, vector<128x512xf32>
      %reduce_max3A_229 = arith.constant dense<0xFF800000> : vector<128xf32>
      %reduce_max3A_230 = vector.multi_reduction <maximumf>, %select_n3A_228, %reduce_max3A_229 [1] : vector<128x512xf32> to vector<128xf32>
      %broadcast_in_dim3A_231 = vector.shape_cast %reduce_max3A_230 : vector<128xf32> to vector<128x1xf32>
      %eq3A_232 = vector.broadcast %broadcast_in_dim3A_231 : vector<128x1xf32> to vector<128x512xf32>
      %eq3A_233 = arith.cmpf oeq, %select_n3A_228, %eq3A_232 : vector<128x512xf32>
      %jit3A_234 = arith.constant 512 : i32
      %broadcast_in_dim3A_235 = vector.broadcast %jit3A_234 : i32 to vector<128x512xi32>
      %select_n3A_236 = arith.select %eq3A_233, %iota3A, %broadcast_in_dim3A_235 : vector<128x512xi1>, vector<128x512xi32>
      %reduce_min3A_237 = arith.constant dense<2147483647> : vector<128xi32>
      %reduce_min3A_238 = vector.multi_reduction <minsi>, %select_n3A_236, %reduce_min3A_237 [1] : vector<128x512xi32> to vector<128xi32>
      %broadcast_in_dim3A_239 = vector.shape_cast %reduce_min3A_238 : vector<128xi32> to vector<128x1xi32>
      %reduce_sum3A_240 = vector.shape_cast %broadcast_in_dim3A_231 : vector<128x1xf32> to vector<1x128x1xf32>
      %reduce_sum3A_241 = arith.constant dense<0.000000e+00> : vector<1xf32>
      %reduce_sum3A_242 = vector.multi_reduction <add>, %reduce_sum3A_240, %reduce_sum3A_241 [1, 2] : vector<1x128x1xf32> to vector<1xf32>
      %reduce_sum3A_243 = vector.shape_cast %reduce_sum3A_242 : vector<1xf32> to vector<1x1x1xf32>
      %reduce_sum3A_244 = vector.extract %reduce_sum3A_243[0, 0, 0] : f32 from vector<1x1x1xf32>
      %broadcast_in_dim3A_245 = vector.broadcast %reduce_sum3A_244 : f32 to vector<1x1xf32>
      %add3A_246 = arith.addf %add3A_223, %broadcast_in_dim3A_245 : vector<1x1xf32>
      %eq3A_247 = vector.broadcast %broadcast_in_dim3A_239 : vector<128x1xi32> to vector<128x512xi32>
      %eq3A_248 = arith.cmpi eq, %iota3A, %eq3A_247 : vector<128x512xi32>
      %jit3A_249 = arith.constant 0xFF800000 : f32
      %broadcast_in_dim3A_250 = vector.broadcast %jit3A_249 : f32 to vector<128x512xf32>
      %select_n3A_251 = arith.select %eq3A_248, %broadcast_in_dim3A_250, %select_n3A_228 : vector<128x512xi1>, vector<128x512xf32>
      %reduce_max3A_252 = arith.constant dense<0xFF800000> : vector<128xf32>
      %reduce_max3A_253 = vector.multi_reduction <maximumf>, %select_n3A_251, %reduce_max3A_252 [1] : vector<128x512xf32> to vector<128xf32>
      %broadcast_in_dim3A_254 = vector.shape_cast %reduce_max3A_253 : vector<128xf32> to vector<128x1xf32>
      %eq3A_255 = vector.broadcast %broadcast_in_dim3A_254 : vector<128x1xf32> to vector<128x512xf32>
      %eq3A_256 = arith.cmpf oeq, %select_n3A_251, %eq3A_255 : vector<128x512xf32>
      %jit3A_257 = arith.constant 512 : i32
      %broadcast_in_dim3A_258 = vector.broadcast %jit3A_257 : i32 to vector<128x512xi32>
      %select_n3A_259 = arith.select %eq3A_256, %iota3A, %broadcast_in_dim3A_258 : vector<128x512xi1>, vector<128x512xi32>
      %reduce_min3A_260 = arith.constant dense<2147483647> : vector<128xi32>
      %reduce_min3A_261 = vector.multi_reduction <minsi>, %select_n3A_259, %reduce_min3A_260 [1] : vector<128x512xi32> to vector<128xi32>
      %broadcast_in_dim3A_262 = vector.shape_cast %reduce_min3A_261 : vector<128xi32> to vector<128x1xi32>
      %reduce_sum3A_263 = vector.shape_cast %broadcast_in_dim3A_254 : vector<128x1xf32> to vector<1x128x1xf32>
      %reduce_sum3A_264 = arith.constant dense<0.000000e+00> : vector<1xf32>
      %reduce_sum3A_265 = vector.multi_reduction <add>, %reduce_sum3A_263, %reduce_sum3A_264 [1, 2] : vector<1x128x1xf32> to vector<1xf32>
      %reduce_sum3A_266 = vector.shape_cast %reduce_sum3A_265 : vector<1xf32> to vector<1x1x1xf32>
      %reduce_sum3A_267 = vector.extract %reduce_sum3A_266[0, 0, 0] : f32 from vector<1x1x1xf32>
      %broadcast_in_dim3A_268 = vector.broadcast %reduce_sum3A_267 : f32 to vector<1x1xf32>
      %add3A_269 = arith.addf %add3A_246, %broadcast_in_dim3A_268 : vector<1x1xf32>
      %concatenate3A = tpu.concatenate %broadcast_in_dim3A_101, %broadcast_in_dim3A_124, %broadcast_in_dim3A_147, %broadcast_in_dim3A_170, %broadcast_in_dim3A_193, %broadcast_in_dim3A_216, %broadcast_in_dim3A_239, %broadcast_in_dim3A_262 in 1 : vector<128x1xi32>, vector<128x1xi32>, vector<128x1xi32>, vector<128x1xi32>, vector<128x1xi32>, vector<128x1xi32>, vector<128x1xi32>, vector<128x1xi32> -> vector<128x8xi32>
      %swap3A_270 = arith.constant 0 : index
      %swap3A_271 = arith.constant 0 : index
      %swap3A_272 = vector.load %arg4[%swap3A_270, %swap3A_271] : memref<128x8xi32, #tpu.memory_space<vmem>>, vector<128x8xi32>
      tpu.vector_store %arg4[%swap3A_270, %swap3A_271], %concatenate3A {strides = array<i32>} : memref<128x8xi32, #tpu.memory_space<vmem>>, vector<128x8xi32>,
      %concatenate3A_273 = tpu.concatenate %concatenate3A, %concatenate3A, %concatenate3A, %concatenate3A, %concatenate3A, %concatenate3A, %concatenate3A, %concatenate3A, %concatenate3A, %concatenate3A, %concatenate3A, %concatenate3A, %concatenate3A, %concatenate3A, %concatenate3A, %concatenate3A in 1 : vector<128x8xi32>, vector<128x8xi32>, vector<128x8xi32>, vector<128x8xi32>, vector<128x8xi32>, vector<128x8xi32>, vector<128x8xi32>, vector<128x8xi32>, vector<128x8xi32>, vector<128x8xi32>, vector<128x8xi32>, vector<128x8xi32>, vector<128x8xi32>, vector<128x8xi32>, vector<128x8xi32>, vector<128x8xi32> -> vector<128x128xi32>
      %swap3A_274 = arith.constant 0 : index
      %swap3A_275 = arith.constant 0 : index
      %swap3A_276 = vector.load %arg6[%swap3A_274, %swap3A_275] : memref<128x128xi32, #tpu.memory_space<vmem>>, vector<128x128xi32>
      tpu.vector_store %arg6[%swap3A_274, %swap3A_275], %concatenate3A_273 {strides = array<i32>} : memref<128x128xi32, #tpu.memory_space<vmem>>, vector<128x128xi32>,
      %mul3A_277 = arith.constant 7.812500e-03 : f32
      %mul3A_278 = vector.broadcast %mul3A_277 : f32 to vector<1x1xf32>
      %mul3A_279 = arith.mulf %add3A_269, %mul3A_278 : vector<1x1xf32>
      %swap3A_280 = arith.constant 0 : index
      %swap3A_281 = arith.constant 0 : index
      %swap3A_282 = vector.load %arg5[%swap3A_280, %swap3A_281] : memref<1x1xf32, #tpu.memory_space<vmem>>, vector<1x1xf32>
      tpu.vector_store %arg5[%swap3A_280, %swap3A_281], %mul3A_279 {strides = array<i32>} : memref<1x1xf32, #tpu.memory_space<vmem>>, vector<1x1xf32>,
    } else {
    }
    return
  }
  func.func @transform_0(%arg0: i32) -> (i32, i32, i32) {
    %c0_i32 = arith.constant 0 : i32
    %c0_i32_0 = arith.constant 0 : i32
    %c0_i32_1 = arith.constant 0 : i32
    return %arg0, %c0_i32, %c0_i32_0 : i32, i32, i32
  }
  func.func @transform_1(%arg0: i32) -> (i32, i32) {
    %c0_i32 = arith.constant 0 : i32
    %c0_i32_0 = arith.constant 0 : i32
    %c0_i32_1 = arith.constant 0 : i32
    return %c0_i32, %c0_i32_0 : i32, i32
  }
  func.func @transform_2(%arg0: i32) -> (i32, i32) {
    %c0_i32 = arith.constant 0 : i32
    %c0_i32_0 = arith.constant 0 : i32
    %c0_i32_1 = arith.constant 0 : i32
    return %c0_i32, %c0_i32_0 : i32, i32
  }
  func.func @transform_3(%arg0: i32) -> (i32, i32) {
    %c0_i32 = arith.constant 0 : i32
    %c0_i32_0 = arith.constant 0 : i32
    %c0_i32_1 = arith.constant 0 : i32
    return %c0_i32, %c0_i32_0 : i32, i32
  }
  func.func @transform_4(%arg0: i32) -> (i32, i32) {
    %c0_i32 = arith.constant 0 : i32
    %c0_i32_0 = arith.constant 0 : i32
    %c0_i32_1 = arith.constant 0 : i32
    return %c0_i32, %c0_i32_0 : i32, i32
  }
  func.func @transform_5(%arg0: i32) -> (i32, i32) {
    %c0_i32 = arith.constant 0 : i32
    %c0_i32_0 = arith.constant 0 : i32
    %c0_i32_1 = arith.constant 0 : i32
    return %c0_i32, %c0_i32_0 : i32, i32
  }
}

</mosaic_0001>

<sc_bundles>
// kernel: kernel.4.cloned.1.call-start
scs
__scs_entry_jumppad:
0x0: {  	(pc) =	sbr.rel $0x88, $3  }
0x1: {  	(tag) =	ssettag $0x0;
	lr =	simm.s32 $0x1  }
0x2: {  	[smem:$0x3F9E] =	sst lr;
	_ =	strace $0xD0000000  }
0x3: {  	_ = 	snop  }
0x4: {  	_ = 	snop  }
0x5: {  	_ = 	snop  }
0x6: {  	_ = 	snop  }
0x7: {  	_ = 	snop  }
__scs_overlays_trampoline_lowered:
0x8: {  	[smem:$0x3FAD] =	sst s0  }
0x9: {  	[smem:$0x3FAE] =	sst s1  }
0xa: {  	[smem:$0x3FAF] =	sst s2  }
0xb: {  	[smem:$0x3FB0] =	sst s3  }
0xc: {  	[smem:$0x3FB1] =	sst s4  }
0xd: {  	[smem:$0x3FB2] =	sst s5  }
0xe: {  	[smem:$0x3FB3] =	sst s6  }
0xf: {  	[smem:$0x3FB4] =	sst s7  }
0x10: {  	[smem:$0x3FB5] =	sst s8  }
0x11: {  	[smem:$0x3FB6] =	sst s9;
	s0 =	simm.s32 @!p0 $0x0  }
0x12: {  	s1 =	sld [smem:$0x3F9C];
	s0 =	simm.s32 @p0 $0x1  }
0x13: {  	[smem:$0x3FB7] =	sst s0;
	s0 =	simm.s32 @!p1 $0x0  }
0x14: {  	s2 =	sld [smem:$0x3F9B];
	s0 =	simm.s32 @p1 $0x1  }
0x15: {  	[smem:$0x3FB8] =	sst s0;
	s0 =	simm.s32 @!p2 $0x0  }
0x16: {  	s3 =	sld [smem:$0x3FDB];
	s0 =	simm.s32 @p2 $0x1  }
0x17: {  	s4 =	simm.s32 $0x1BF5;
	[smem:$0x3FBA] =	sst s0  }
0x18: {  	s0 =	sld [smem:$0x3F9D];
	_ =	swait.ge [sflag:s4], $0x0  }
0x19: {  	s7 =	sld [smem:$0x3F9E]  }
0x1a: {  	s8 =	sadd.s32 $0xFFFFE003, lr  }
0x1b: {  	s9 =	sadd.s32 $0xFFFFFEF7, lr;
	s5 =	simm.s32 $0xFFFFFFFF;
	p2 =	slt.u32 s8, $0xFFFFF086  }
0x1c: {  	p1 =	slt.u32 s9, $0xF7A;
	s5 =	simm.s32 @!p2 $0x0  }
0x1d: {  	s5 =	simm.s32 @p1 $0x1;
	p0 =	seq.s32 s7, s2  }
0x1e: {  	s7 =	smul.u32 @!p0 $0xF7A, s2;
	p2 =	seq.s32 @!p0 s5, $0x0  }
0x1f: {  	s9 =	smul.u32 $0xF7A, s1;
	s8 =	simm.s32 @!p0 $0x1BF5;
	p2 =	por !p2, p0  }
0x20: {  	[sflag:s8] =	ssyncset.s32 @!p0 $0xFFFFF086;
	s6 =	sadd.s32 @!p0 s3, s7;
	s7 =	simm.s32 @!p0 $0x108  }
0x21: {  	s3 =	sadd.s32 s3, s9;
	s6 =	sadd.s32 @!p0 $0x88, s6;
	s7 =	simm.s32 @p2 $0x1082  }
0x22: {  	[simem:s7], [sflag:s8] =	dma.local @!p0 [hbm:s6], $0xF7A  }
0x23: {  	s9 =	sor.u32 $0xD0000000, s2;
	s6 =	simm.s32 $0x108;
	_ =	swait.ge @!p0 [sflag:s8], $0x0  }
0x24: {  	s3 =	sadd.s32 $0x88, s3;
	s6 =	simm.s32 @!p1 $0x1082;
	[sflag:s4] =	ssyncset.s32 $0xFFFFF086  }
0x25: {  	[simem:s6], [sflag:s4] =	dma.local [hbm:s3], $0xF7A  }
0x26: {  	[smem:$0x3F9E] =	sst s1;
	(tag) =	ssettag s2;
	_ =	strace s9  }
0x27: {  	s1 =	sld [smem:$0x3FAE]  }
0x28: {  	s2 =	sld [smem:$0x3FAF]  }
0x29: {  	s4 =	sld [smem:$0x3FB1]  }
0x2a: {  	p0 =	seq.s32 s5, $0x0;
	s5 =	sld [smem:$0x3FB2]  }
0x2b: {  	s6 =	sld [smem:$0x3FB3]  }
0x2c: {  	s7 =	sld [smem:$0x3FB4]  }
0x2d: {  	s3 =	simm.s32 $0x108;
	s8 =	sld [smem:$0x3FB5]  }
0x2e: {  	s3 =	simm.s32 @!p0 $0x1082;
	s9 =	sld [smem:$0x3FB6]  }
0x2f: {  	lr =	sadd.s32 s0, s3;
	s0 =	sld [smem:$0x3FAD]  }
0x30: {  	s3 =	sld [smem:$0x3FB0]  }
0x31: {  	[smem:$0x3FB9] =	sst s10  }
0x32: {  	s10 =	sld [smem:$0x3FB7];
	_ =	sdelay $0x3  }
0x33: {  	p0 =	seq.s32 s10, $0x1;
	s10 =	sld [smem:$0x3FB9];
	_ =	sdelay $0x3  }
0x34: {  	[smem:$0x3FB9] =	sst s10  }
0x35: {  	s10 =	sld [smem:$0x3FB8];
	_ =	sdelay $0x3  }
0x36: {  	p1 =	seq.s32 s10, $0x1;
	s10 =	sld [smem:$0x3FB9];
	_ =	sdelay $0x3  }
0x37: {  	[smem:$0x3FB9] =	sst s10  }
0x38: {  	s10 =	sld [smem:$0x3FBA]  }
0x39: {  	_ = 	snop;
	(pc) =	sbr.ind lr, $3  }
0x3a: {  	_ = 	snop  }
0x3b: {  	_ = 	snop  }
0x3c: {  	p2 =	seq.s32 s10, $0x1;
	s10 =	sld [smem:$0x3FB9]  }
0x3d: {  	_ =	shalt  }
0x3e: {  	_ =	shalt  }
0x3f: {  	_ =	shalt  }
0x40: {  	_ =	shalt  }
0x41: {  	_ =	shalt  }
0x42: {  	_ =	shalt  }
0x43: {  	_ =	shalt  }
0x44: {  	_ =	shalt  }
0x45: {  	_ =	shalt  }
0x46: {  	_ =	shalt  }
0x47: {  	_ =	shalt  }
0x48: {  	_ =	shalt  }
0x49: {  	_ =	shalt  }
0x4a: {  	_ =	shalt  }
0x4b: {  	_ =	shalt  }
0x4c: {  	_ =	shalt  }
0x4d: {  	_ =	shalt  }
0x4e: {  	_ =	shalt  }
0x4f: {  	_ =	shalt  }
0x50: {  	_ =	shalt  }
0x51: {  	_ =	shalt  }
0x52: {  	_ =	shalt  }
0x53: {  	_ =	shalt  }
0x54: {  	_ =	shalt  }
0x55: {  	_ =	shalt  }
0x56: {  	_ =	shalt  }
0x57: {  	_ =	shalt  }
0x58: {  	_ =	shalt  }
0x59: {  	_ =	shalt  }
0x5a: {  	_ =	shalt  }
0x5b: {  	_ =	shalt  }
0x5c: {  	_ =	shalt  }
0x5d: {  	_ =	shalt  }
0x5e: {  	_ =	shalt  }
0x5f: {  	_ =	shalt  }
0x60: {  	_ =	shalt  }
0x61: {  	_ =	shalt  }
0x62: {  	_ =	shalt  }
0x63: {  	_ =	shalt  }
0x64: {  	_ =	shalt  }
0x65: {  	_ =	shalt  }
0x66: {  	_ =	shalt  }
0x67: {  	_ =	shalt  }
0x68: {  	_ =	shalt  }
0x69: {  	_ =	shalt  }
0x6a: {  	_ =	shalt  }
0x6b: {  	_ =	shalt  }
0x6c: {  	_ =	shalt  }
0x6d: {  	_ =	shalt  }
0x6e: {  	_ =	shalt  }
0x6f: {  	_ =	shalt  }
0x70: {  	_ =	shalt  }
0x71: {  	_ =	shalt  }
0x72: {  	_ =	shalt  }
0x73: {  	_ =	shalt  }
0x74: {  	_ =	shalt  }
0x75: {  	_ =	shalt  }
0x76: {  	_ =	shalt  }
0x77: {  	_ =	shalt  }
0x78: {  	_ =	shalt  }
0x79: {  	_ =	shalt  }
0x7a: {  	_ =	shalt  }
0x7b: {  	_ =	shalt  }
0x7c: {  	_ =	shalt  }
0x7d: {  	_ =	shalt  }
0x7e: {  	_ =	shalt  }
0x7f: {  	_ =	shalt  }
0x80: {  	_ =	shalt  }
0x81: {  	_ =	shalt  }
0x82: {  	_ =	shalt  }
0x83: {  	_ =	shalt  }
0x84: {  	_ =	shalt  }
0x85: {  	_ =	shalt  }
0x86: {  	_ =	shalt  }
0x87: {  	_ =	shalt  }
.Lfunc_end0:
.L_simem_size_0:
called_computation_lowered:
.L_overlay_start_0:
0x88: {  	s2 =	sld [smem:$0x3FD9]  }
0x89: {  	s3 =	sld [smem:$0x3FFE];
	_ =	sdelay $0x1  }
0x8a: {  	s1 =	srdreg.scid  }
0x8b: {  	s0 =	sand.u32 $0x1, s1  }
0x8c: {  	s14 =	sshll.u32 s0, $0xA;
	s2 =	sadd.s32 s3, s2  }
0x8d: {  	s2 =	sadd.s32 s2, s14  }
0x8e: {  	[smem:$0x3FC5] =	sst s2  }
0x8f: {  	_ = 	snop  }
0x90: {  	s2 =	sld [smem:$0x3FD0];
	_ =	sdelay $0x2  }
0x91: {  	s4 =	simm.s32 $0xA;
	s5 =	simm.s32 $0x10;
	s15 =	sld [smem:$0x3FC8]  }
0x92: {  	[smem:s5], [sflag:s4] =	dma.local [hbm:s2], $0x1  }
0x93: {  	_ =	swait.eq [sflag:s4], $0x1  }
0x94: {  	[sflag:s4] =	ssyncset.done $0x0  }
0x95: {  	[sflag:s4] =	ssyncadd.s32 $0xFFFFFFFF  }
0x96: {  	s16 =	sld [smem:$0x10];
	(tm) =	ssettm $0x1  }
0x97: {  	s17 =	sld [smem:$0x3FFB];
	_ =	sdelay $0x3  }
0x98: {  	_ =	strace s17  }
0x99: {  	s4 =	sld [smem:$0x3FFC];
	_ =	sdelay $0x3  }
0x9a: {  	_ =	strace s4  }
0x9b: {  	s4 =	sld [smem:$0x3FFD];
	_ =	sdelay $0x3  }
0x9c: {  	_ =	strace s4  }
0x9d: {  	_ =	strace $0x8FFFFFFF  }
0x9e: {  	s18 =	sld [smem:$0x3FDB];
	_ =	sdelay $0x1  }
0x9f: {  	s19 =	simm.s32 $_scs_section_size  }
0xa0: {  	s6 =	simm.s32 $_size__tile_overlayer_lowered;
	s7 =	simm.s32 $_tile_overlayer_lowered  }
0xa1: {  	s22 =	simm.s32 $0x1BFF;
	s21 =	sshll.u32 s7, $0x1;
	s4 =	sadd.s32 s19, s18  }
0xa2: {  	s8 =	simm.s32 $0x0;
	s20 =	sshll.u32 s6, $0x1;
	s6 =	sadd.s32 s21, s4  }
0xa3: {  	[timem:s8], [sflag:s22] =	dma.local [hbm:s6], s20  }
0xa4: {  	_ =	swait.ge [sflag:s22], s20  }
0xa5: {  	s5 =	ssub.s32 $0x0, s20;
	[sflag:s22] =	ssyncset.done $0x0  }
0xa6: {  	[sflag:s22] =	ssyncadd.s32 s5;
	_ =	sdelay $0x1  }
0xa7: {  	s23 =	simm.s32 $0x1B8B  }
0xa8: {  	_ =	swait.ge [sflag:s23], $0x1  }
0xa9: {  	[sflag:s23] =	ssyncset.done $0x0  }
0xaa: {  	s25 =	simm.s32 $0x1B8E;
	s24 =	sld [smem:$0x3FFE];
	[sflag:s23] =	ssyncadd.s32 $0xFFFFFFFF  }
0xab: {  	s26 =	simm.s32 $execute0_lowered;
	[smem:$0x3FD2] =	sst s25  }
0xac: {  	s6 =	sshll.u32 s26, $0x1;
	_ =	strace $0x80000046;
	[dreg:$0x1] =	wrdreg $0xFFFFFFFF  }
0xad: {  	s28 =	simm.s32 $_size_execute0_lowered;
	s4 =	sadd.s32 s4, s6;
	[dreg:$0x0] =	wrdreg $0x0  }
0xae: {  	s6 =	sshll.u32 s28, $0x1;
	[dreg:$0x2] =	wrdreg s4  }
0xaf: {  	[dreg:$0x3] =	wrdreg s6  }
0xb0: {  	[dreg:$0x4] =	wrdreg $0xC0  }
0xb1: {  	_ =	task [dreg:s8], $0x5FFFF  }
0xb2: {  	[dreg:$0x1] =	wrdreg $0xFFFFFFFF  }
0xb3: {  	[dreg:$0x0] =	wrdreg $0x60  }
0xb4: {  	[dreg:$0x2] =	wrdreg s15  }
0xb5: {  	[dreg:$0x3] =	wrdreg s24  }
0xb6: {  	[dreg:$0x4] =	wrdreg s16  }
0xb7: {  	[dreg:$0x5] =	wrdreg $0x9  }
0xb8: {  	_ =	task.clear_ibuf [dreg:s8], $0x6FFFF;
	_ =	strace $0x90000046  }
0xb9: {  	s29 =	simm.s32 $0x9;
	_ =	strace $0x80000048  }
0xba: {  	_ =	swait.ge [sflag:s29], $0x1  }
0xbb: {  	[sflag:s29] =	ssyncadd.s32 $0xFFFFFFFF  }
0xbc: {  	_ =	strace $0x90000048  }
0xbd: {  	_ =	sfence  }
0xbe: {  	s30 =	sld [smem:$0x0];
	_ =	sdelay $0x2  }
0xbf: {  	s31 =	sshll.u32 s1, $0xD;
	s1 =	sshrl.u32 s1, $0x2  }
0xc0: {  	s3 =	sand.u32 $0x4000, s31;
	s1 =	sadd.s32 s1, s30  }
0xc1: {  	s0 =	sor.u32 s3, s0;
	s1 =	sshll.u32 s1, $0x11  }
0xc2: {  	s0 =	sor.u32 s1, s0  }
0xc3: {  	s0 =	sadd.s32 $0x8F2B, s0  }
0xc4: {  	[sflag:s0] =	ssyncadd.remote.s32 $0x1  }
0xc5: {  	_ =	sfence.sel $0xFFFF  }
0xc6: {  	[dreg:$0x0] =	wrdreg $0xFFFFFFFF;
	(pc) =	sbr.abs _section_cstart, $3  }
0xc7: {  	[dreg:$0x1] =	wrdreg $0xFFFFFFFF  }
0xc8: {  	_ =	task.clear_ibuf [dreg:s8], $0x2FFFF;
	_ =	strace $0x9FFFFFFF  }
0xc9: {  	(tm) =	ssettm $0x7FFFFFFF  }
tec
execute0_lowered:
.L_overlay_start_1:
0x0: {  	(tag) =	ssettag $0x1  }
0x1: {  	v0 =	vimm.s32 $0x187;
	vm0 =	vcmask $0x300  }
0x2: {  	v0 =	vsel vm0, $0x100, v0;
	vm0 =	vcmask $0x704  }
0x3: {  	s0 =	rddreg [dreg:$0x0];
	v0 =	vsel vm0, $0x101, v0;
	vm0 =	vcmask $0xB08  }
0x4: {  	s4 =	rddreg [dreg:$0x1];
	v1 =	vimm.s32 $0x83828180;
	v0 =	vsel vm0, $0x102, v0;
	vm0 =	vcmask $0xF0C  }
0x5: {  	s5 =	rddreg [dreg:$0x2];
	v2 =	vimm.s32 $0x87868584;
	v0 =	vsel vm0, $0x103, v0;
	vm0 =	vcmask $0x1310  }
0x6: {  	s1 =	rddreg [dreg:$0x3];
	s3 =	simm.s32 $0x0;
	s6 =	srdreg.scid;
	v3 =	vimm.s32 $0x76543210;
	v0 =	vsel vm0, $0x104, v0;
	vm0 =	vcmask $0x1714  }
0x7: {  	s2 =	stileid.u32;
	vm1 =	vcmask $0x1F10;
	s11 =	simm.s32 $0x280;
	s12 =	simm.s32 $0x1;
	v0 =	vsel vm0, $0x105, v0;
	vm0 =	vcmask $0x1B18  }
0x8: {  	s13 =	simm.s32 $0xC280;
	s14 =	simm.s32 $0x2;
	s15 =	simm.s32 $0x3;
	v1 =	vunpack.c.0.s8.s32 v1;
	v0 =	vsel vm0, $0x106, v0;
	vm0 =	vcmask $0x1F1C  }
0x9: {  	s16 =	simm.s32 $0x4;
	s6 =	sand.u32 $0x1, s6;
	s7 =	sshll.u32 s2, $0x1;
	v3 =	vunpack.c.l.s4.s8 v3;
	v0 =	vsel vm0, $0x107, v0;
	vm0 =	vcmask $0x2320  }
0xa: {  	[smem:$0x7FF] =	sst s3;
	v2 =	vunpack.c.0.s8.s32 v2;
	s30 =	sshll.u32 s2, $0x7;
	s7 =	sor.u32 s6, s7;
	v0 =	vsel vm0, $0x180, v0;
	vm0 =	vcmask $0x2724  }
0xb: {  	s8 =	sshll.u32 s6, $0x6;
	s6 =	ssub.s32 $0x2, s6;
	s9 =	smul.u32 $0x30000, s7;
	v3 =	vunpack.c.0.s8.s32 v3;
	v0 =	vsel vm0, $0x181, v0;
	vm0 =	vcmask $0x2B28  }
0xc: {  	s4 =	sadd.s32 s8, s4;
	s29 =	sshrl.u32 s6, $0x1;
	s7 =	smul.u32 $0x6000, s7;
	v1 =	vsel vm1, v2, v1;
	v0 =	vsel vm0, $0x182, v0;
	vm0 =	vcmask $0x2F2C  }
0xd: {  	_ =	strace $0x80000047;
	s10 =	ssub.s32 s6, s29;
	s6 =	sadd.s32 s30, s4;
	v1 =	vcombine.low v3, v1;
	v0 =	vsel vm0, $0x183, v0;
	vm0 =	vcmask $0x3330  }
0xe: {  	s31 =	sshrl.u32 s9, $0x3;
	s4 =	sadd.s32 s5, s7;
	s9 =	smax.u32 s10, $0x1;
	v2 =	vsel vm0, $0x184, v0;
	vm0 =	vcmask $0x3734  }
0xf: {  	s10 =	simm.s32 $0x5;
	s8 =	sadd.s32 s5, s31;
	s5 =	sadd.s32 $0xA00, s6;
	v0 =	vand.u32 $0xFF, v1;
	v1 =	vsel vm0, $0x185, v2;
	vm0 =	vcmask $0x3B38  }
0x10: {  	s6 =	sadd.s32 $0x1800, s4;
	s7 =	sadd.s32 $0x3000, s8;
	s8 =	sadd.s32 $0x4800, s8;
	v2 =	vlaneseq.u32;
	v1 =	vsel vm0, $0x186, v1;
	vm0 =	vmmov $0xff  }
.LBB2_1:
0x11: {  	[tilespmem:s3], [sflag:$0x5] =	stream.linear.gather [hbm4b:s5+s3], $0x200, $0x38;
	[tilespmem:$0x18280] =	vst v63  }
0x12: {  	_ =	swait.ge [sflag:s10], $0x200  }
0x13: {  	[sflag:s10] =	ssyncset.done $0x0  }
0x14: {  	[sflag:s10] =	ssyncadd.s32 $0xFFFFFE00  }
0x15: {  	v3 =	vld.idx.msk [tilespmem:v0+s3+$0x0], $0xffff;
	_ =	sdelay $0x4  }
0x16: {  	[tilespmem:$0x200] =	vst v3  }
0x17: {  	v3 =	vld.msk [tilespmem:$0x200], $0xff;
	_ =	sdelay $0x4  }
0x18: {  	v3 =	vmul.u32 $0x1800, v3;
	_ =	sdelay $0x1  }
0x19: {  	v4 =	vld.idx.msk [tilespmem:v1+s3+$0x0], $0xffff;
	v3 =	vperm.xlane v3, v2;
	_ =	sdelay $0x4  }
0x1a: {  	[tilespmem:$0x210] =	vst v4  }
0x1b: {  	[tilespmem:s11], [sflag:$0x1] =	stream.indirect_vreg.gather [hbm4b:s0+s3], $0x1800, v3, vm0, $0x38;
	[tilespmem:$0x18280] =	vst v63  }
0x1c: {  	_ =	swait.ge [sflag:s12], $0xC000  }
0x1d: {  	[sflag:s12] =	ssyncset.done $0x0  }
0x1e: {  	[sflag:s12] =	ssyncadd.s32 $0xFFFF4000  }
0x1f: {  	[hbm4b:s4+s3] =	stream.linear.scatter [tilespmem:s11], [sflag:$0x3], $0xC000, $0x38;
	[tilespmem:$0x18280] =	vst v63  }
0x20: {  	v3 =	vld.msk [tilespmem:$0x208], $0xff;
	_ =	sdelay $0x4  }
0x21: {  	v3 =	vmul.u32 $0x1800, v3;
	_ =	sdelay $0x1  }
0x22: {  	v3 =	vperm.xlane v3, v2;
	_ =	sdelay $0x5  }
0x23: {  	[tilespmem:s13], [sflag:$0x2] =	stream.indirect_vreg.gather [hbm4b:s0+s3], $0x1800, v3, vm0, $0x38;
	[tilespmem:$0x18280] =	vst v63  }
0x24: {  	_ =	swait.ge [sflag:s14], $0xC000  }
0x25: {  	[sflag:s14] =	ssyncset.done $0x0  }
0x26: {  	[sflag:s14] =	ssyncadd.s32 $0xFFFF4000  }
0x27: {  	[hbm4b:s6+s3] =	stream.linear.scatter [tilespmem:s13], [sflag:$0x4], $0xC000, $0x38;
	[tilespmem:$0x18280] =	vst v63  }
0x28: {  	_ =	swait.ge [sflag:s15], $0xC000  }
0x29: {  	[sflag:s15] =	ssyncset.done $0x0  }
0x2a: {  	[sflag:s15] =	ssyncadd.s32 $0xFFFF4000  }
0x2b: {  	v3 =	vld.msk [tilespmem:$0x210], $0xff;
	_ =	sdelay $0x4  }
0x2c: {  	v3 =	vmul.u32 $0x1800, v3;
	_ =	sdelay $0x1  }
0x2d: {  	v3 =	vperm.xlane v3, v2;
	_ =	sdelay $0x5  }
0x2e: {  	[tilespmem:s11], [sflag:$0x1] =	stream.indirect_vreg.gather [hbm4b:s0+s3], $0x1800, v3, vm0, $0x38;
	[tilespmem:$0x18280] =	vst v63  }
0x2f: {  	_ =	swait.ge [sflag:s12], $0xC000  }
0x30: {  	[sflag:s12] =	ssyncset.done $0x0  }
0x31: {  	[sflag:s12] =	ssyncadd.s32 $0xFFFF4000  }
0x32: {  	[hbm4b:s7+s3] =	stream.linear.scatter [tilespmem:s11], [sflag:$0x3], $0xC000, $0x38;
	[tilespmem:$0x18280] =	vst v63  }
0x33: {  	_ =	swait.ge [sflag:s16], $0xC000  }
0x34: {  	[sflag:s16] =	ssyncset.done $0x0  }
0x35: {  	[sflag:s16] =	ssyncadd.s32 $0xFFFF4000  }
0x36: {  	v3 =	vld.msk [tilespmem:$0x218], $0xff;
	_ =	sdelay $0x4  }
0x37: {  	v3 =	vmul.u32 $0x1800, v3;
	_ =	sdelay $0x1  }
0x38: {  	v3 =	vperm.xlane v3, v2;
	_ =	sdelay $0x5  }
0x39: {  	[tilespmem:s13], [sflag:$0x2] =	stream.indirect_vreg.gather [hbm4b:s0+s3], $0x1800, v3, vm0, $0x38;
	[tilespmem:$0x18280] =	vst v63  }
0x3a: {  	_ =	swait.ge [sflag:s14], $0xC000  }
0x3b: {  	[sflag:s14] =	ssyncset.done $0x0  }
0x3c: {  	[sflag:s14] =	ssyncadd.s32 $0xFFFF4000  }
0x3d: {  	[hbm4b:s8+s3] =	stream.linear.scatter [tilespmem:s13], [sflag:$0x4], $0xC000, $0x38;
	[tilespmem:$0x18280] =	vst v63  }
0x3e: {  	p0 =	sne.s32 s9, $0x1;
	_ =	swait.ge [sflag:s15], $0xC000  }
.Ltmp0:
0x3f: {  	[sflag:s15] =	ssyncset.done $0x0;
	(pc) =	sbr.rel @p0 .LBB2_1-.Ltmp0, $4  }
0x40: {  	[sflag:s15] =	ssyncadd.s32 $0xFFFF4000  }
0x41: {  	_ =	swait.ge [sflag:s16], $0xC000  }
0x42: {  	[sflag:s16] =	ssyncset.done $0x0  }
0x43: {  	s9 =	sadd.s32 $0xFFFFFFFF, s9;
	[sflag:s16] =	ssyncadd.s32 $0xFFFF4000  }
0x44: {  	_ =	sfence.sel $0x180000  }
0x45: {  	[bflag:$0x0] =	sbarrier.arrive $0xFFFF  }
0x46: {  	p0 =	sne.s32 s2, $0x0;
	_ =	strace $0x90000047  }
0x47: {  	s0 =	sadd.s32 @!p0 $0x100000, s1;
	[bflag:$0x2] =	sbarrier.arrive $0xFFFF  }
0x48: {  	[sflag:s0] =	ssyncadd.tile.s32 @!p0 $0x1;
	_ =	shalt  }
.Lfunc_end2:
_tile_overlayer_lowered:
.L_overlay_start_2:
0x49: {  	(tag) =	ssettag $0x2  }
0x4a: {  	s0 =	rddreg [dreg:$0x0];
	s2 =	stileid.u32  }
0x4b: {  	s1 =	rddreg [dreg:$0x1];
	p0 =	sne.s32 s2, $0x0  }
0x4c: {  	s3 =	rddreg [dreg:$0x2];
	[bflag:$0x3] =	sbarrier.arrive $0xFFFF;
	s2 =	simm.s32 @!p0 $0x1C05  }
0x4d: {  	[timem:s3], [sflag:s2] =	dma.local @!p0 [hbm:s0], s1  }
0x4e: {  	s0 =	simm.s32 @!p0 $0x5  }
0x4f: {  	_ =	swait.ge @!p0 [sflag:s0], s1  }
0x50: {  	s1 =	ssub.s32 @!p0 $0x0, s1;
	[sflag:s0] =	ssyncset.done @!p0 $0x0  }
0x51: {  	[sflag:s0] =	ssyncadd.s32 @!p0 s1  }
0x52: {  	[bflag:$0x3] =	sbarrier.arrive $0xFFFF  }
0x53: {  	_ =	shalt  }

</sc_bundles>
